<compile_context>
chip_gen: v7x
topology: tpu7x:2x2x1
jax: 0.10.2.dev20260603
libtpu: 0.0.44.dev20260713+nightly
codegen_flags: <defaults>
</compile_context>

<pallas_src>
import jax
import jax.numpy as jnp
from jax.experimental import pallas as pl
from jax.experimental.pallas import tpu as pltpu

_BB = 128


def _mask_kernel(n_ref, out_ref):
    i = pl.program_id(0)
    rows = jax.lax.broadcasted_iota(jnp.int32, (104, 128), 0)
    for j in range(_BB):
        out_ref[j] = (rows < n_ref[i * _BB + j]).astype(jnp.float32)


def kernel(tensor_span):
    b = tensor_span.shape[0]
    n = tensor_span[:, 0]
    nb = b // _BB
    grid_spec = pltpu.PrefetchScalarGridSpec(
        num_scalar_prefetch=1,
        grid=(nb,),
        in_specs=[],
        out_specs=pl.BlockSpec((_BB, 104, 128), lambda i, n_s: (i, 0, 0)),
    )
    out = pl.pallas_call(
        _mask_kernel,
        grid_spec=grid_spec,
        out_shape=jax.ShapeDtypeStruct((b, 104, 128), jnp.float32),
        compiler_params=pltpu.CompilerParams(
            dimension_semantics=("parallel",),
        ),
    )(n)
    return out[:, :100, :100]

# --- scband reference (transcript-rebuilt; emitter-appended) ---
"""Pipeline reference for scband-test-11879879541277 (READ-ONLY COPY).

The authoritative reference and input builder live on the scoring server;
editing this copy changes nothing except your own understanding.
"""

import jax, jax.numpy as jnp
import numpy as np


def setup_inputs(seed: int = 0) -> dict:
    key = jax.random.key(seed)
    tensor_span = jax.random.randint(key, (8192, 2), 0, 100, dtype=jnp.int32)
    return {"tensor_span": tensor_span}


def reference(tensor_span):
    # Original torch code: test_mask[i][:n][:n].fill_(1.0) where n = tensor_span[i, 0].
    # Note test_mask[i][:n][:n] double-slices the ROW dimension twice (the second [:n]
    # re-slices the already-sliced rows), so the net effect is: rows 0..n-1 of the
    # [100, 100] mask are set to 1.0 across ALL 100 columns.
    batch_size = tensor_span.shape[0]
    n = tensor_span[:, 0]  # [B]
    row_ids = jnp.arange(100, dtype=n.dtype)  # [100]
    row_mask = (row_ids[None, :] < n[:, None]).astype(jnp.float32)  # [B, 100]
    test_mask = jnp.broadcast_to(row_mask[:, :, None], (batch_size, 100, 100))
    return test_mask

if __name__ == "__main__":
    import jax
    _d = setup_inputs()
    print(jax.jit(kernel)(*tuple(_d.values())))

</pallas_src>

<mosaic_0001>
module attributes {stable_mosaic.version = 14 : i64} {
  func.func @_mask_kernel(%arg0: i32, %arg1: memref<8192xi32, #tpu.memory_space<smem>>, %arg2: memref<128x104x128xf32, #tpu.memory_space<vmem>>) attributes {dimension_semantics = [#tpu.dimension_semantics<parallel>], iteration_bounds = array<i64: 64>, scalar_prefetch = 1 : i64, scratch_operands = 0 : i64, tpu.core_type = #tpu.core_type<tc>, window_params = [{transform_indices = @transform_0, window_bounds = array<i64: 128, 104, 128>}]} {
    %iota3A = tpu.iota {dimensions = array<i32: 0>} : vector<104x128xi32>
    %mul3A = arith.constant 128 : i32
    %mul3A_0 = arith.muli %arg0, %mul3A : i32
    %add3A = arith.constant 0 : i32
    %add3A_1 = arith.addi %mul3A_0, %add3A : i32
    %get3A = arith.index_cast %add3A_1 : i32 to index
    %get3A_2 = memref.load %arg1[%get3A] : memref<8192xi32, #tpu.memory_space<smem>>
    %lt3A = vector.broadcast %get3A_2 : i32 to vector<104x128xi32>
    %lt3A_3 = arith.cmpi slt, %iota3A, %lt3A : vector<104x128xi32>
    %convert_element_type3A = arith.extui %lt3A_3 : vector<104x128xi1> to vector<104x128xi32>
    %convert_element_type3A_4 = arith.sitofp %convert_element_type3A : vector<104x128xi32> to vector<104x128xf32>
    %swap3A = arith.constant 0 : index
    %swap3A_5 = arith.constant 0 : index
    %swap3A_6 = arith.constant 0 : index
    %swap3A_7 = vector.load %arg2[%swap3A, %swap3A_5, %swap3A_6] : memref<128x104x128xf32, #tpu.memory_space<vmem>>, vector<1x104x128xf32>
    %swap3A_8 = vector.shape_cast %swap3A_7 : vector<1x104x128xf32> to vector<104x128xf32>
    %swap3A_9 = vector.shape_cast %convert_element_type3A_4 : vector<104x128xf32> to vector<1x104x128xf32>
    tpu.vector_store %arg2[%swap3A, %swap3A_5, %swap3A_6], %swap3A_9 {strides = array<i32>} : memref<128x104x128xf32, #tpu.memory_space<vmem>>, vector<1x104x128xf32>,
    %mul3A_10 = arith.constant 128 : i32
    %mul3A_11 = arith.muli %arg0, %mul3A_10 : i32
    %add3A_12 = arith.constant 1 : i32
    %add3A_13 = arith.addi %mul3A_11, %add3A_12 : i32
    %get3A_14 = arith.index_cast %add3A_13 : i32 to index
    %get3A_15 = memref.load %arg1[%get3A_14] : memref<8192xi32, #tpu.memory_space<smem>>
    %lt3A_16 = vector.broadcast %get3A_15 : i32 to vector<104x128xi32>
    %lt3A_17 = arith.cmpi slt, %iota3A, %lt3A_16 : vector<104x128xi32>
    %convert_element_type3A_18 = arith.extui %lt3A_17 : vector<104x128xi1> to vector<104x128xi32>
    %convert_element_type3A_19 = arith.sitofp %convert_element_type3A_18 : vector<104x128xi32> to vector<104x128xf32>
    %swap3A_20 = arith.constant 1 : index
    %swap3A_21 = arith.constant 0 : index
    %swap3A_22 = arith.constant 0 : index
    %swap3A_23 = vector.load %arg2[%swap3A_20, %swap3A_21, %swap3A_22] : memref<128x104x128xf32, #tpu.memory_space<vmem>>, vector<1x104x128xf32>
    %swap3A_24 = vector.shape_cast %swap3A_23 : vector<1x104x128xf32> to vector<104x128xf32>
    %swap3A_25 = vector.shape_cast %convert_element_type3A_19 : vector<104x128xf32> to vector<1x104x128xf32>
    tpu.vector_store %arg2[%swap3A_20, %swap3A_21, %swap3A_22], %swap3A_25 {strides = array<i32>} : memref<128x104x128xf32, #tpu.memory_space<vmem>>, vector<1x104x128xf32>,
    %mul3A_26 = arith.constant 128 : i32
    %mul3A_27 = arith.muli %arg0, %mul3A_26 : i32
    %add3A_28 = arith.constant 2 : i32
    %add3A_29 = arith.addi %mul3A_27, %add3A_28 : i32
    %get3A_30 = arith.index_cast %add3A_29 : i32 to index
    %get3A_31 = memref.load %arg1[%get3A_30] : memref<8192xi32, #tpu.memory_space<smem>>
    %lt3A_32 = vector.broadcast %get3A_31 : i32 to vector<104x128xi32>
    %lt3A_33 = arith.cmpi slt, %iota3A, %lt3A_32 : vector<104x128xi32>
    %convert_element_type3A_34 = arith.extui %lt3A_33 : vector<104x128xi1> to vector<104x128xi32>
    %convert_element_type3A_35 = arith.sitofp %convert_element_type3A_34 : vector<104x128xi32> to vector<104x128xf32>
    %swap3A_36 = arith.constant 2 : index
    %swap3A_37 = arith.constant 0 : index
    %swap3A_38 = arith.constant 0 : index
    %swap3A_39 = vector.load %arg2[%swap3A_36, %swap3A_37, %swap3A_38] : memref<128x104x128xf32, #tpu.memory_space<vmem>>, vector<1x104x128xf32>
    %swap3A_40 = vector.shape_cast %swap3A_39 : vector<1x104x128xf32> to vector<104x128xf32>
    %swap3A_41 = vector.shape_cast %convert_element_type3A_35 : vector<104x128xf32> to vector<1x104x128xf32>
    tpu.vector_store %arg2[%swap3A_36, %swap3A_37, %swap3A_38], %swap3A_41 {strides = array<i32>} : memref<128x104x128xf32, #tpu.memory_space<vmem>>, vector<1x104x128xf32>,
    %mul3A_42 = arith.constant 128 : i32
    %mul3A_43 = arith.muli %arg0, %mul3A_42 : i32
    %add3A_44 = arith.constant 3 : i32
    %add3A_45 = arith.addi %mul3A_43, %add3A_44 : i32
    %get3A_46 = arith.index_cast %add3A_45 : i32 to index
    %get3A_47 = memref.load %arg1[%get3A_46] : memref<8192xi32, #tpu.memory_space<smem>>
    %lt3A_48 = vector.broadcast %get3A_47 : i32 to vector<104x128xi32>
    %lt3A_49 = arith.cmpi slt, %iota3A, %lt3A_48 : vector<104x128xi32>
    %convert_element_type3A_50 = arith.extui %lt3A_49 : vector<104x128xi1> to vector<104x128xi32>
    %convert_element_type3A_51 = arith.sitofp %convert_element_type3A_50 : vector<104x128xi32> to vector<104x128xf32>
    %swap3A_52 = arith.constant 3 : index
    %swap3A_53 = arith.constant 0 : index
    %swap3A_54 = arith.constant 0 : index
    %swap3A_55 = vector.load %arg2[%swap3A_52, %swap3A_53, %swap3A_54] : memref<128x104x128xf32, #tpu.memory_space<vmem>>, vector<1x104x128xf32>
    %swap3A_56 = vector.shape_cast %swap3A_55 : vector<1x104x128xf32> to vector<104x128xf32>
    %swap3A_57 = vector.shape_cast %convert_element_type3A_51 : vector<104x128xf32> to vector<1x104x128xf32>
    tpu.vector_store %arg2[%swap3A_52, %swap3A_53, %swap3A_54], %swap3A_57 {strides = array<i32>} : memref<128x104x128xf32, #tpu.memory_space<vmem>>, vector<1x104x128xf32>,
    %mul3A_58 = arith.constant 128 : i32
    %mul3A_59 = arith.muli %arg0, %mul3A_58 : i32
    %add3A_60 = arith.constant 4 : i32
    %add3A_61 = arith.addi %mul3A_59, %add3A_60 : i32
    %get3A_62 = arith.index_cast %add3A_61 : i32 to index
    %get3A_63 = memref.load %arg1[%get3A_62] : memref<8192xi32, #tpu.memory_space<smem>>
    %lt3A_64 = vector.broadcast %get3A_63 : i32 to vector<104x128xi32>
    %lt3A_65 = arith.cmpi slt, %iota3A, %lt3A_64 : vector<104x128xi32>
    %convert_element_type3A_66 = arith.extui %lt3A_65 : vector<104x128xi1> to vector<104x128xi32>
    %convert_element_type3A_67 = arith.sitofp %convert_element_type3A_66 : vector<104x128xi32> to vector<104x128xf32>
    %swap3A_68 = arith.constant 4 : index
    %swap3A_69 = arith.constant 0 : index
    %swap3A_70 = arith.constant 0 : index
    %swap3A_71 = vector.load %arg2[%swap3A_68, %swap3A_69, %swap3A_70] : memref<128x104x128xf32, #tpu.memory_space<vmem>>, vector<1x104x128xf32>
    %swap3A_72 = vector.shape_cast %swap3A_71 : vector<1x104x128xf32> to vector<104x128xf32>
    %swap3A_73 = vector.shape_cast %convert_element_type3A_67 : vector<104x128xf32> to vector<1x104x128xf32>
    tpu.vector_store %arg2[%swap3A_68, %swap3A_69, %swap3A_70], %swap3A_73 {strides = array<i32>} : memref<128x104x128xf32, #tpu.memory_space<vmem>>, vector<1x104x128xf32>,
    %mul3A_74 = arith.constant 128 : i32
    %mul3A_75 = arith.muli %arg0, %mul3A_74 : i32
    %add3A_76 = arith.constant 5 : i32
    %add3A_77 = arith.addi %mul3A_75, %add3A_76 : i32
    %get3A_78 = arith.index_cast %add3A_77 : i32 to index
    %get3A_79 = memref.load %arg1[%get3A_78] : memref<8192xi32, #tpu.memory_space<smem>>
    %lt3A_80 = vector.broadcast %get3A_79 : i32 to vector<104x128xi32>
    %lt3A_81 = arith.cmpi slt, %iota3A, %lt3A_80 : vector<104x128xi32>
    %convert_element_type3A_82 = arith.extui %lt3A_81 : vector<104x128xi1> to vector<104x128xi32>
    %convert_element_type3A_83 = arith.sitofp %convert_element_type3A_82 : vector<104x128xi32> to vector<104x128xf32>
    %swap3A_84 = arith.constant 5 : index
    %swap3A_85 = arith.constant 0 : index
    %swap3A_86 = arith.constant 0 : index
    %swap3A_87 = vector.load %arg2[%swap3A_84, %swap3A_85, %swap3A_86] : memref<128x104x128xf32, #tpu.memory_space<vmem>>, vector<1x104x128xf32>
    %swap3A_88 = vector.shape_cast %swap3A_87 : vector<1x104x128xf32> to vector<104x128xf32>
    %swap3A_89 = vector.shape_cast %convert_element_type3A_83 : vector<104x128xf32> to vector<1x104x128xf32>
    tpu.vector_store %arg2[%swap3A_84, %swap3A_85, %swap3A_86], %swap3A_89 {strides = array<i32>} : memref<128x104x128xf32, #tpu.memory_space<vmem>>, vector<1x104x128xf32>,
    %mul3A_90 = arith.constant 128 : i32
    %mul3A_91 = arith.muli %arg0, %mul3A_90 : i32
    %add3A_92 = arith.constant 6 : i32
    %add3A_93 = arith.addi %mul3A_91, %add3A_92 : i32
    %get3A_94 = arith.index_cast %add3A_93 : i32 to index
    %get3A_95 = memref.load %arg1[%get3A_94] : memref<8192xi32, #tpu.memory_space<smem>>
    %lt3A_96 = vector.broadcast %get3A_95 : i32 to vector<104x128xi32>
    %lt3A_97 = arith.cmpi slt, %iota3A, %lt3A_96 : vector<104x128xi32>
    %convert_element_type3A_98 = arith.extui %lt3A_97 : vector<104x128xi1> to vector<104x128xi32>
    %convert_element_type3A_99 = arith.sitofp %convert_element_type3A_98 : vector<104x128xi32> to vector<104x128xf32>
    %swap3A_100 = arith.constant 6 : index
    %swap3A_101 = arith.constant 0 : index
    %swap3A_102 = arith.constant 0 : index
    %swap3A_103 = vector.load %arg2[%swap3A_100, %swap3A_101, %swap3A_102] : memref<128x104x128xf32, #tpu.memory_space<vmem>>, vector<1x104x128xf32>
    %swap3A_104 = vector.shape_cast %swap3A_103 : vector<1x104x128xf32> to vector<104x128xf32>
    %swap3A_105 = vector.shape_cast %convert_element_type3A_99 : vector<104x128xf32> to vector<1x104x128xf32>
    tpu.vector_store %arg2[%swap3A_100, %swap3A_101, %swap3A_102], %swap3A_105 {strides = array<i32>} : memref<128x104x128xf32, #tpu.memory_space<vmem>>, vector<1x104x128xf32>,
    %mul3A_106 = arith.constant 128 : i32
    %mul3A_107 = arith.muli %arg0, %mul3A_106 : i32
    %add3A_108 = arith.constant 7 : i32
    %add3A_109 = arith.addi %mul3A_107, %add3A_108 : i32
    %get3A_110 = arith.index_cast %add3A_109 : i32 to index
    %get3A_111 = memref.load %arg1[%get3A_110] : memref<8192xi32, #tpu.memory_space<smem>>
    %lt3A_112 = vector.broadcast %get3A_111 : i32 to vector<104x128xi32>
    %lt3A_113 = arith.cmpi slt, %iota3A, %lt3A_112 : vector<104x128xi32>
    %convert_element_type3A_114 = arith.extui %lt3A_113 : vector<104x128xi1> to vector<104x128xi32>
    %convert_element_type3A_115 = arith.sitofp %convert_element_type3A_114 : vector<104x128xi32> to vector<104x128xf32>
    %swap3A_116 = arith.constant 7 : index
    %swap3A_117 = arith.constant 0 : index
    %swap3A_118 = arith.constant 0 : index
    %swap3A_119 = vector.load %arg2[%swap3A_116, %swap3A_117, %swap3A_118] : memref<128x104x128xf32, #tpu.memory_space<vmem>>, vector<1x104x128xf32>
    %swap3A_120 = vector.shape_cast %swap3A_119 : vector<1x104x128xf32> to vector<104x128xf32>
    %swap3A_121 = vector.shape_cast %convert_element_type3A_115 : vector<104x128xf32> to vector<1x104x128xf32>
    tpu.vector_store %arg2[%swap3A_116, %swap3A_117, %swap3A_118], %swap3A_121 {strides = array<i32>} : memref<128x104x128xf32, #tpu.memory_space<vmem>>, vector<1x104x128xf32>,
    %mul3A_122 = arith.constant 128 : i32
    %mul3A_123 = arith.muli %arg0, %mul3A_122 : i32
    %add3A_124 = arith.constant 8 : i32
    %add3A_125 = arith.addi %mul3A_123, %add3A_124 : i32
    %get3A_126 = arith.index_cast %add3A_125 : i32 to index
    %get3A_127 = memref.load %arg1[%get3A_126] : memref<8192xi32, #tpu.memory_space<smem>>
    %lt3A_128 = vector.broadcast %get3A_127 : i32 to vector<104x128xi32>
    %lt3A_129 = arith.cmpi slt, %iota3A, %lt3A_128 : vector<104x128xi32>
    %convert_element_type3A_130 = arith.extui %lt3A_129 : vector<104x128xi1> to vector<104x128xi32>
    %convert_element_type3A_131 = arith.sitofp %convert_element_type3A_130 : vector<104x128xi32> to vector<104x128xf32>
    %swap3A_132 = arith.constant 8 : index
    %swap3A_133 = arith.constant 0 : index
    %swap3A_134 = arith.constant 0 : index
    %swap3A_135 = vector.load %arg2[%swap3A_132, %swap3A_133, %swap3A_134] : memref<128x104x128xf32, #tpu.memory_space<vmem>>, vector<1x104x128xf32>
    %swap3A_136 = vector.shape_cast %swap3A_135 : vector<1x104x128xf32> to vector<104x128xf32>
    %swap3A_137 = vector.shape_cast %convert_element_type3A_131 : vector<104x128xf32> to vector<1x104x128xf32>
    tpu.vector_store %arg2[%swap3A_132, %swap3A_133, %swap3A_134], %swap3A_137 {strides = array<i32>} : memref<128x104x128xf32, #tpu.memory_space<vmem>>, vector<1x104x128xf32>,
    %mul3A_138 = arith.constant 128 : i32
    %mul3A_139 = arith.muli %arg0, %mul3A_138 : i32
    %add3A_140 = arith.constant 9 : i32
    %add3A_141 = arith.addi %mul3A_139, %add3A_140 : i32
    %get3A_142 = arith.index_cast %add3A_141 : i32 to index
    %get3A_143 = memref.load %arg1[%get3A_142] : memref<8192xi32, #tpu.memory_space<smem>>
    %lt3A_144 = vector.broadcast %get3A_143 : i32 to vector<104x128xi32>
    %lt3A_145 = arith.cmpi slt, %iota3A, %lt3A_144 : vector<104x128xi32>
    %convert_element_type3A_146 = arith.extui %lt3A_145 : vector<104x128xi1> to vector<104x128xi32>
    %convert_element_type3A_147 = arith.sitofp %convert_element_type3A_146 : vector<104x128xi32> to vector<104x128xf32>
    %swap3A_148 = arith.constant 9 : index
    %swap3A_149 = arith.constant 0 : index
    %swap3A_150 = arith.constant 0 : index
    %swap3A_151 = vector.load %arg2[%swap3A_148, %swap3A_149, %swap3A_150] : memref<128x104x128xf32, #tpu.memory_space<vmem>>, vector<1x104x128xf32>
    %swap3A_152 = vector.shape_cast %swap3A_151 : vector<1x104x128xf32> to vector<104x128xf32>
    %swap3A_153 = vector.shape_cast %convert_element_type3A_147 : vector<104x128xf32> to vector<1x104x128xf32>
    tpu.vector_store %arg2[%swap3A_148, %swap3A_149, %swap3A_150], %swap3A_153 {strides = array<i32>} : memref<128x104x128xf32, #tpu.memory_space<vmem>>, vector<1x104x128xf32>,
    %mul3A_154 = arith.constant 128 : i32
    %mul3A_155 = arith.muli %arg0, %mul3A_154 : i32
    %add3A_156 = arith.constant 10 : i32
    %add3A_157 = arith.addi %mul3A_155, %add3A_156 : i32
    %get3A_158 = arith.index_cast %add3A_157 : i32 to index
    %get3A_159 = memref.load %arg1[%get3A_158] : memref<8192xi32, #tpu.memory_space<smem>>
    %lt3A_160 = vector.broadcast %get3A_159 : i32 to vector<104x128xi32>
    %lt3A_161 = arith.cmpi slt, %iota3A, %lt3A_160 : vector<104x128xi32>
    %convert_element_type3A_162 = arith.extui %lt3A_161 : vector<104x128xi1> to vector<104x128xi32>
    %convert_element_type3A_163 = arith.sitofp %convert_element_type3A_162 : vector<104x128xi32> to vector<104x128xf32>
    %swap3A_164 = arith.constant 10 : index
    %swap3A_165 = arith.constant 0 : index
    %swap3A_166 = arith.constant 0 : index
    %swap3A_167 = vector.load %arg2[%swap3A_164, %swap3A_165, %swap3A_166] : memref<128x104x128xf32, #tpu.memory_space<vmem>>, vector<1x104x128xf32>
    %swap3A_168 = vector.shape_cast %swap3A_167 : vector<1x104x128xf32> to vector<104x128xf32>
    %swap3A_169 = vector.shape_cast %convert_element_type3A_163 : vector<104x128xf32> to vector<1x104x128xf32>
    tpu.vector_store %arg2[%swap3A_164, %swap3A_165, %swap3A_166], %swap3A_169 {strides = array<i32>} : memref<128x104x128xf32, #tpu.memory_space<vmem>>, vector<1x104x128xf32>,
    %mul3A_170 = arith.constant 128 : i32
    %mul3A_171 = arith.muli %arg0, %mul3A_170 : i32
    %add3A_172 = arith.constant 11 : i32
    %add3A_173 = arith.addi %mul3A_171, %add3A_172 : i32
    %get3A_174 = arith.index_cast %add3A_173 : i32 to index
    %get3A_175 = memref.load %arg1[%get3A_174] : memref<8192xi32, #tpu.memory_space<smem>>
    %lt3A_176 = vector.broadcast %get3A_175 : i32 to vector<104x128xi32>
    %lt3A_177 = arith.cmpi slt, %iota3A, %lt3A_176 : vector<104x128xi32>
    %convert_element_type3A_178 = arith.extui %lt3A_177 : vector<104x128xi1> to vector<104x128xi32>
    %convert_element_type3A_179 = arith.sitofp %convert_element_type3A_178 : vector<104x128xi32> to vector<104x128xf32>
    %swap3A_180 = arith.constant 11 : index
    %swap3A_181 = arith.constant 0 : index
    %swap3A_182 = arith.constant 0 : index
    %swap3A_183 = vector.load %arg2[%swap3A_180, %swap3A_181, %swap3A_182] : memref<128x104x128xf32, #tpu.memory_space<vmem>>, vector<1x104x128xf32>
    %swap3A_184 = vector.shape_cast %swap3A_183 : vector<1x104x128xf32> to vector<104x128xf32>
    %swap3A_185 = vector.shape_cast %convert_element_type3A_179 : vector<104x128xf32> to vector<1x104x128xf32>
    tpu.vector_store %arg2[%swap3A_180, %swap3A_181, %swap3A_182], %swap3A_185 {strides = array<i32>} : memref<128x104x128xf32, #tpu.memory_space<vmem>>, vector<1x104x128xf32>,
    %mul3A_186 = arith.constant 128 : i32
    %mul3A_187 = arith.muli %arg0, %mul3A_186 : i32
    %add3A_188 = arith.constant 12 : i32
    %add3A_189 = arith.addi %mul3A_187, %add3A_188 : i32
    %get3A_190 = arith.index_cast %add3A_189 : i32 to index
    %get3A_191 = memref.load %arg1[%get3A_190] : memref<8192xi32, #tpu.memory_space<smem>>
    %lt3A_192 = vector.broadcast %get3A_191 : i32 to vector<104x128xi32>
    %lt3A_193 = arith.cmpi slt, %iota3A, %lt3A_192 : vector<104x128xi32>
    %convert_element_type3A_194 = arith.extui %lt3A_193 : vector<104x128xi1> to vector<104x128xi32>
    %convert_element_type3A_195 = arith.sitofp %convert_element_type3A_194 : vector<104x128xi32> to vector<104x128xf32>
    %swap3A_196 = arith.constant 12 : index
    %swap3A_197 = arith.constant 0 : index
    %swap3A_198 = arith.constant 0 : index
    %swap3A_199 = vector.load %arg2[%swap3A_196, %swap3A_197, %swap3A_198] : memref<128x104x128xf32, #tpu.memory_space<vmem>>, vector<1x104x128xf32>
    %swap3A_200 = vector.shape_cast %swap3A_199 : vector<1x104x128xf32> to vector<104x128xf32>
    %swap3A_201 = vector.shape_cast %convert_element_type3A_195 : vector<104x128xf32> to vector<1x104x128xf32>
    tpu.vector_store %arg2[%swap3A_196, %swap3A_197, %swap3A_198], %swap3A_201 {strides = array<i32>} : memref<128x104x128xf32, #tpu.memory_space<vmem>>, vector<1x104x128xf32>,
    %mul3A_202 = arith.constant 128 : i32
    %mul3A_203 = arith.muli %arg0, %mul3A_202 : i32
    %add3A_204 = arith.constant 13 : i32
    %add3A_205 = arith.addi %mul3A_203, %add3A_204 : i32
    %get3A_206 = arith.index_cast %add3A_205 : i32 to index
    %get3A_207 = memref.load %arg1[%get3A_206] : memref<8192xi32, #tpu.memory_space<smem>>
    %lt3A_208 = vector.broadcast %get3A_207 : i32 to vector<104x128xi32>
    %lt3A_209 = arith.cmpi slt, %iota3A, %lt3A_208 : vector<104x128xi32>
    %convert_element_type3A_210 = arith.extui %lt3A_209 : vector<104x128xi1> to vector<104x128xi32>
    %convert_element_type3A_211 = arith.sitofp %convert_element_type3A_210 : vector<104x128xi32> to vector<104x128xf32>
    %swap3A_212 = arith.constant 13 : index
    %swap3A_213 = arith.constant 0 : index
    %swap3A_214 = arith.constant 0 : index
    %swap3A_215 = vector.load %arg2[%swap3A_212, %swap3A_213, %swap3A_214] : memref<128x104x128xf32, #tpu.memory_space<vmem>>, vector<1x104x128xf32>
    %swap3A_216 = vector.shape_cast %swap3A_215 : vector<1x104x128xf32> to vector<104x128xf32>
    %swap3A_217 = vector.shape_cast %convert_element_type3A_211 : vector<104x128xf32> to vector<1x104x128xf32>
    tpu.vector_store %arg2[%swap3A_212, %swap3A_213, %swap3A_214], %swap3A_217 {strides = array<i32>} : memref<128x104x128xf32, #tpu.memory_space<vmem>>, vector<1x104x128xf32>,
    %mul3A_218 = arith.constant 128 : i32
    %mul3A_219 = arith.muli %arg0, %mul3A_218 : i32
    %add3A_220 = arith.constant 14 : i32
    %add3A_221 = arith.addi %mul3A_219, %add3A_220 : i32
    %get3A_222 = arith.index_cast %add3A_221 : i32 to index
    %get3A_223 = memref.load %arg1[%get3A_222] : memref<8192xi32, #tpu.memory_space<smem>>
    %lt3A_224 = vector.broadcast %get3A_223 : i32 to vector<104x128xi32>
    %lt3A_225 = arith.cmpi slt, %iota3A, %lt3A_224 : vector<104x128xi32>
    %convert_element_type3A_226 = arith.extui %lt3A_225 : vector<104x128xi1> to vector<104x128xi32>
    %convert_element_type3A_227 = arith.sitofp %convert_element_type3A_226 : vector<104x128xi32> to vector<104x128xf32>
    %swap3A_228 = arith.constant 14 : index
    %swap3A_229 = arith.constant 0 : index
    %swap3A_230 = arith.constant 0 : index
    %swap3A_231 = vector.load %arg2[%swap3A_228, %swap3A_229, %swap3A_230] : memref<128x104x128xf32, #tpu.memory_space<vmem>>, vector<1x104x128xf32>
    %swap3A_232 = vector.shape_cast %swap3A_231 : vector<1x104x128xf32> to vector<104x128xf32>
    %swap3A_233 = vector.shape_cast %convert_element_type3A_227 : vector<104x128xf32> to vector<1x104x128xf32>
    tpu.vector_store %arg2[%swap3A_228, %swap3A_229, %swap3A_230], %swap3A_233 {strides = array<i32>} : memref<128x104x128xf32, #tpu.memory_space<vmem>>, vector<1x104x128xf32>,
    %mul3A_234 = arith.constant 128 : i32
    %mul3A_235 = arith.muli %arg0, %mul3A_234 : i32
    %add3A_236 = arith.constant 15 : i32
    %add3A_237 = arith.addi %mul3A_235, %add3A_236 : i32
    %get3A_238 = arith.index_cast %add3A_237 : i32 to index
    %get3A_239 = memref.load %arg1[%get3A_238] : memref<8192xi32, #tpu.memory_space<smem>>
    %lt3A_240 = vector.broadcast %get3A_239 : i32 to vector<104x128xi32>
    %lt3A_241 = arith.cmpi slt, %iota3A, %lt3A_240 : vector<104x128xi32>
    %convert_element_type3A_242 = arith.extui %lt3A_241 : vector<104x128xi1> to vector<104x128xi32>
    %convert_element_type3A_243 = arith.sitofp %convert_element_type3A_242 : vector<104x128xi32> to vector<104x128xf32>
    %swap3A_244 = arith.constant 15 : index
    %swap3A_245 = arith.constant 0 : index
    %swap3A_246 = arith.constant 0 : index
    %swap3A_247 = vector.load %arg2[%swap3A_244, %swap3A_245, %swap3A_246] : memref<128x104x128xf32, #tpu.memory_space<vmem>>, vector<1x104x128xf32>
    %swap3A_248 = vector.shape_cast %swap3A_247 : vector<1x104x128xf32> to vector<104x128xf32>
    %swap3A_249 = vector.shape_cast %convert_element_type3A_243 : vector<104x128xf32> to vector<1x104x128xf32>
    tpu.vector_store %arg2[%swap3A_244, %swap3A_245, %swap3A_246], %swap3A_249 {strides = array<i32>} : memref<128x104x128xf32, #tpu.memory_space<vmem>>, vector<1x104x128xf32>,
    %mul3A_250 = arith.constant 128 : i32
    %mul3A_251 = arith.muli %arg0, %mul3A_250 : i32
    %add3A_252 = arith.constant 16 : i32
    %add3A_253 = arith.addi %mul3A_251, %add3A_252 : i32
    %get3A_254 = arith.index_cast %add3A_253 : i32 to index
    %get3A_255 = memref.load %arg1[%get3A_254] : memref<8192xi32, #tpu.memory_space<smem>>
    %lt3A_256 = vector.broadcast %get3A_255 : i32 to vector<104x128xi32>
    %lt3A_257 = arith.cmpi slt, %iota3A, %lt3A_256 : vector<104x128xi32>
    %convert_element_type3A_258 = arith.extui %lt3A_257 : vector<104x128xi1> to vector<104x128xi32>
    %convert_element_type3A_259 = arith.sitofp %convert_element_type3A_258 : vector<104x128xi32> to vector<104x128xf32>
    %swap3A_260 = arith.constant 16 : index
    %swap3A_261 = arith.constant 0 : index
    %swap3A_262 = arith.constant 0 : index
    %swap3A_263 = vector.load %arg2[%swap3A_260, %swap3A_261, %swap3A_262] : memref<128x104x128xf32, #tpu.memory_space<vmem>>, vector<1x104x128xf32>
    %swap3A_264 = vector.shape_cast %swap3A_263 : vector<1x104x128xf32> to vector<104x128xf32>
    %swap3A_265 = vector.shape_cast %convert_element_type3A_259 : vector<104x128xf32> to vector<1x104x128xf32>
    tpu.vector_store %arg2[%swap3A_260, %swap3A_261, %swap3A_262], %swap3A_265 {strides = array<i32>} : memref<128x104x128xf32, #tpu.memory_space<vmem>>, vector<1x104x128xf32>,
    %mul3A_266 = arith.constant 128 : i32
    %mul3A_267 = arith.muli %arg0, %mul3A_266 : i32
    %add3A_268 = arith.constant 17 : i32
    %add3A_269 = arith.addi %mul3A_267, %add3A_268 : i32
    %get3A_270 = arith.index_cast %add3A_269 : i32 to index
    %get3A_271 = memref.load %arg1[%get3A_270] : memref<8192xi32, #tpu.memory_space<smem>>
    %lt3A_272 = vector.broadcast %get3A_271 : i32 to vector<104x128xi32>
    %lt3A_273 = arith.cmpi slt, %iota3A, %lt3A_272 : vector<104x128xi32>
    %convert_element_type3A_274 = arith.extui %lt3A_273 : vector<104x128xi1> to vector<104x128xi32>
    %convert_element_type3A_275 = arith.sitofp %convert_element_type3A_274 : vector<104x128xi32> to vector<104x128xf32>
    %swap3A_276 = arith.constant 17 : index
    %swap3A_277 = arith.constant 0 : index
    %swap3A_278 = arith.constant 0 : index
    %swap3A_279 = vector.load %arg2[%swap3A_276, %swap3A_277, %swap3A_278] : memref<128x104x128xf32, #tpu.memory_space<vmem>>, vector<1x104x128xf32>
    %swap3A_280 = vector.shape_cast %swap3A_279 : vector<1x104x128xf32> to vector<104x128xf32>
    %swap3A_281 = vector.shape_cast %convert_element_type3A_275 : vector<104x128xf32> to vector<1x104x128xf32>
    tpu.vector_store %arg2[%swap3A_276, %swap3A_277, %swap3A_278], %swap3A_281 {strides = array<i32>} : memref<128x104x128xf32, #tpu.memory_space<vmem>>, vector<1x104x128xf32>,
    %mul3A_282 = arith.constant 128 : i32
    %mul3A_283 = arith.muli %arg0, %mul3A_282 : i32
    %add3A_284 = arith.constant 18 : i32
    %add3A_285 = arith.addi %mul3A_283, %add3A_284 : i32
    %get3A_286 = arith.index_cast %add3A_285 : i32 to index
    %get3A_287 = memref.load %arg1[%get3A_286] : memref<8192xi32, #tpu.memory_space<smem>>
    %lt3A_288 = vector.broadcast %get3A_287 : i32 to vector<104x128xi32>
    %lt3A_289 = arith.cmpi slt, %iota3A, %lt3A_288 : vector<104x128xi32>
    %convert_element_type3A_290 = arith.extui %lt3A_289 : vector<104x128xi1> to vector<104x128xi32>
    %convert_element_type3A_291 = arith.sitofp %convert_element_type3A_290 : vector<104x128xi32> to vector<104x128xf32>
    %swap3A_292 = arith.constant 18 : index
    %swap3A_293 = arith.constant 0 : index
    %swap3A_294 = arith.constant 0 : index
    %swap3A_295 = vector.load %arg2[%swap3A_292, %swap3A_293, %swap3A_294] : memref<128x104x128xf32, #tpu.memory_space<vmem>>, vector<1x104x128xf32>
    %swap3A_296 = vector.shape_cast %swap3A_295 : vector<1x104x128xf32> to vector<104x128xf32>
    %swap3A_297 = vector.shape_cast %convert_element_type3A_291 : vector<104x128xf32> to vector<1x104x128xf32>
    tpu.vector_store %arg2[%swap3A_292, %swap3A_293, %swap3A_294], %swap3A_297 {strides = array<i32>} : memref<128x104x128xf32, #tpu.memory_space<vmem>>, vector<1x104x128xf32>,
    %mul3A_298 = arith.constant 128 : i32
    %mul3A_299 = arith.muli %arg0, %mul3A_298 : i32
    %add3A_300 = arith.constant 19 : i32
    %add3A_301 = arith.addi %mul3A_299, %add3A_300 : i32
    %get3A_302 = arith.index_cast %add3A_301 : i32 to index
    %get3A_303 = memref.load %arg1[%get3A_302] : memref<8192xi32, #tpu.memory_space<smem>>
    %lt3A_304 = vector.broadcast %get3A_303 : i32 to vector<104x128xi32>
    %lt3A_305 = arith.cmpi slt, %iota3A, %lt3A_304 : vector<104x128xi32>
    %convert_element_type3A_306 = arith.extui %lt3A_305 : vector<104x128xi1> to vector<104x128xi32>
    %convert_element_type3A_307 = arith.sitofp %convert_element_type3A_306 : vector<104x128xi32> to vector<104x128xf32>
    %swap3A_308 = arith.constant 19 : index
    %swap3A_309 = arith.constant 0 : index
    %swap3A_310 = arith.constant 0 : index
    %swap3A_311 = vector.load %arg2[%swap3A_308, %swap3A_309, %swap3A_310] : memref<128x104x128xf32, #tpu.memory_space<vmem>>, vector<1x104x128xf32>
    %swap3A_312 = vector.shape_cast %swap3A_311 : vector<1x104x128xf32> to vector<104x128xf32>
    %swap3A_313 = vector.shape_cast %convert_element_type3A_307 : vector<104x128xf32> to vector<1x104x128xf32>
    tpu.vector_store %arg2[%swap3A_308, %swap3A_309, %swap3A_310], %swap3A_313 {strides = array<i32>} : memref<128x104x128xf32, #tpu.memory_space<vmem>>, vector<1x104x128xf32>,
    %mul3A_314 = arith.constant 128 : i32
    %mul3A_315 = arith.muli %arg0, %mul3A_314 : i32
    %add3A_316 = arith.constant 20 : i32
    %add3A_317 = arith.addi %mul3A_315, %add3A_316 : i32
    %get3A_318 = arith.index_cast %add3A_317 : i32 to index
    %get3A_319 = memref.load %arg1[%get3A_318] : memref<8192xi32, #tpu.memory_space<smem>>
    %lt3A_320 = vector.broadcast %get3A_319 : i32 to vector<104x128xi32>
    %lt3A_321 = arith.cmpi slt, %iota3A, %lt3A_320 : vector<104x128xi32>
    %convert_element_type3A_322 = arith.extui %lt3A_321 : vector<104x128xi1> to vector<104x128xi32>
    %convert_element_type3A_323 = arith.sitofp %convert_element_type3A_322 : vector<104x128xi32> to vector<104x128xf32>
    %swap3A_324 = arith.constant 20 : index
    %swap3A_325 = arith.constant 0 : index
    %swap3A_326 = arith.constant 0 : index
    %swap3A_327 = vector.load %arg2[%swap3A_324, %swap3A_325, %swap3A_326] : memref<128x104x128xf32, #tpu.memory_space<vmem>>, vector<1x104x128xf32>
    %swap3A_328 = vector.shape_cast %swap3A_327 : vector<1x104x128xf32> to vector<104x128xf32>
    %swap3A_329 = vector.shape_cast %convert_element_type3A_323 : vector<104x128xf32> to vector<1x104x128xf32>
    tpu.vector_store %arg2[%swap3A_324, %swap3A_325, %swap3A_326], %swap3A_329 {strides = array<i32>} : memref<128x104x128xf32, #tpu.memory_space<vmem>>, vector<1x104x128xf32>,
    %mul3A_330 = arith.constant 128 : i32
    %mul3A_331 = arith.muli %arg0, %mul3A_330 : i32
    %add3A_332 = arith.constant 21 : i32
    %add3A_333 = arith.addi %mul3A_331, %add3A_332 : i32
    %get3A_334 = arith.index_cast %add3A_333 : i32 to index
    %get3A_335 = memref.load %arg1[%get3A_334] : memref<8192xi32, #tpu.memory_space<smem>>
    %lt3A_336 = vector.broadcast %get3A_335 : i32 to vector<104x128xi32>
    %lt3A_337 = arith.cmpi slt, %iota3A, %lt3A_336 : vector<104x128xi32>
    %convert_element_type3A_338 = arith.extui %lt3A_337 : vector<104x128xi1> to vector<104x128xi32>
    %convert_element_type3A_339 = arith.sitofp %convert_element_type3A_338 : vector<104x128xi32> to vector<104x128xf32>
    %swap3A_340 = arith.constant 21 : index
    %swap3A_341 = arith.constant 0 : index
    %swap3A_342 = arith.constant 0 : index
    %swap3A_343 = vector.load %arg2[%swap3A_340, %swap3A_341, %swap3A_342] : memref<128x104x128xf32, #tpu.memory_space<vmem>>, vector<1x104x128xf32>
    %swap3A_344 = vector.shape_cast %swap3A_343 : vector<1x104x128xf32> to vector<104x128xf32>
    %swap3A_345 = vector.shape_cast %convert_element_type3A_339 : vector<104x128xf32> to vector<1x104x128xf32>
    tpu.vector_store %arg2[%swap3A_340, %swap3A_341, %swap3A_342], %swap3A_345 {strides = array<i32>} : memref<128x104x128xf32, #tpu.memory_space<vmem>>, vector<1x104x128xf32>,
    %mul3A_346 = arith.constant 128 : i32
    %mul3A_347 = arith.muli %arg0, %mul3A_346 : i32
    %add3A_348 = arith.constant 22 : i32
    %add3A_349 = arith.addi %mul3A_347, %add3A_348 : i32
    %get3A_350 = arith.index_cast %add3A_349 : i32 to index
    %get3A_351 = memref.load %arg1[%get3A_350] : memref<8192xi32, #tpu.memory_space<smem>>
    %lt3A_352 = vector.broadcast %get3A_351 : i32 to vector<104x128xi32>
    %lt3A_353 = arith.cmpi slt, %iota3A, %lt3A_352 : vector<104x128xi32>
    %convert_element_type3A_354 = arith.extui %lt3A_353 : vector<104x128xi1> to vector<104x128xi32>
    %convert_element_type3A_355 = arith.sitofp %convert_element_type3A_354 : vector<104x128xi32> to vector<104x128xf32>
    %swap3A_356 = arith.constant 22 : index
    %swap3A_357 = arith.constant 0 : index
    %swap3A_358 = arith.constant 0 : index
    %swap3A_359 = vector.load %arg2[%swap3A_356, %swap3A_357, %swap3A_358] : memref<128x104x128xf32, #tpu.memory_space<vmem>>, vector<1x104x128xf32>
    %swap3A_360 = vector.shape_cast %swap3A_359 : vector<1x104x128xf32> to vector<104x128xf32>
    %swap3A_361 = vector.shape_cast %convert_element_type3A_355 : vector<104x128xf32> to vector<1x104x128xf32>
    tpu.vector_store %arg2[%swap3A_356, %swap3A_357, %swap3A_358], %swap3A_361 {strides = array<i32>} : memref<128x104x128xf32, #tpu.memory_space<vmem>>, vector<1x104x128xf32>,
    %mul3A_362 = arith.constant 128 : i32
    %mul3A_363 = arith.muli %arg0, %mul3A_362 : i32
    %add3A_364 = arith.constant 23 : i32
    %add3A_365 = arith.addi %mul3A_363, %add3A_364 : i32
    %get3A_366 = arith.index_cast %add3A_365 : i32 to index
    %get3A_367 = memref.load %arg1[%get3A_366] : memref<8192xi32, #tpu.memory_space<smem>>
    %lt3A_368 = vector.broadcast %get3A_367 : i32 to vector<104x128xi32>
    %lt3A_369 = arith.cmpi slt, %iota3A, %lt3A_368 : vector<104x128xi32>
    %convert_element_type3A_370 = arith.extui %lt3A_369 : vector<104x128xi1> to vector<104x128xi32>
    %convert_element_type3A_371 = arith.sitofp %convert_element_type3A_370 : vector<104x128xi32> to vector<104x128xf32>
    %swap3A_372 = arith.constant 23 : index
    %swap3A_373 = arith.constant 0 : index
    %swap3A_374 = arith.constant 0 : index
    %swap3A_375 = vector.load %arg2[%swap3A_372, %swap3A_373, %swap3A_374] : memref<128x104x128xf32, #tpu.memory_space<vmem>>, vector<1x104x128xf32>
    %swap3A_376 = vector.shape_cast %swap3A_375 : vector<1x104x128xf32> to vector<104x128xf32>
    %swap3A_377 = vector.shape_cast %convert_element_type3A_371 : vector<104x128xf32> to vector<1x104x128xf32>
    tpu.vector_store %arg2[%swap3A_372, %swap3A_373, %swap3A_374], %swap3A_377 {strides = array<i32>} : memref<128x104x128xf32, #tpu.memory_space<vmem>>, vector<1x104x128xf32>,
    %mul3A_378 = arith.constant 128 : i32
    %mul3A_379 = arith.muli %arg0, %mul3A_378 : i32
    %add3A_380 = arith.constant 24 : i32
    %add3A_381 = arith.addi %mul3A_379, %add3A_380 : i32
    %get3A_382 = arith.index_cast %add3A_381 : i32 to index
    %get3A_383 = memref.load %arg1[%get3A_382] : memref<8192xi32, #tpu.memory_space<smem>>
    %lt3A_384 = vector.broadcast %get3A_383 : i32 to vector<104x128xi32>
    %lt3A_385 = arith.cmpi slt, %iota3A, %lt3A_384 : vector<104x128xi32>
    %convert_element_type3A_386 = arith.extui %lt3A_385 : vector<104x128xi1> to vector<104x128xi32>
    %convert_element_type3A_387 = arith.sitofp %convert_element_type3A_386 : vector<104x128xi32> to vector<104x128xf32>
    %swap3A_388 = arith.constant 24 : index
    %swap3A_389 = arith.constant 0 : index
    %swap3A_390 = arith.constant 0 : index
    %swap3A_391 = vector.load %arg2[%swap3A_388, %swap3A_389, %swap3A_390] : memref<128x104x128xf32, #tpu.memory_space<vmem>>, vector<1x104x128xf32>
    %swap3A_392 = vector.shape_cast %swap3A_391 : vector<1x104x128xf32> to vector<104x128xf32>
    %swap3A_393 = vector.shape_cast %convert_element_type3A_387 : vector<104x128xf32> to vector<1x104x128xf32>
    tpu.vector_store %arg2[%swap3A_388, %swap3A_389, %swap3A_390], %swap3A_393 {strides = array<i32>} : memref<128x104x128xf32, #tpu.memory_space<vmem>>, vector<1x104x128xf32>,
    %mul3A_394 = arith.constant 128 : i32
    %mul3A_395 = arith.muli %arg0, %mul3A_394 : i32
    %add3A_396 = arith.constant 25 : i32
    %add3A_397 = arith.addi %mul3A_395, %add3A_396 : i32
    %get3A_398 = arith.index_cast %add3A_397 : i32 to index
    %get3A_399 = memref.load %arg1[%get3A_398] : memref<8192xi32, #tpu.memory_space<smem>>
    %lt3A_400 = vector.broadcast %get3A_399 : i32 to vector<104x128xi32>
    %lt3A_401 = arith.cmpi slt, %iota3A, %lt3A_400 : vector<104x128xi32>
    %convert_element_type3A_402 = arith.extui %lt3A_401 : vector<104x128xi1> to vector<104x128xi32>
    %convert_element_type3A_403 = arith.sitofp %convert_element_type3A_402 : vector<104x128xi32> to vector<104x128xf32>
    %swap3A_404 = arith.constant 25 : index
    %swap3A_405 = arith.constant 0 : index
    %swap3A_406 = arith.constant 0 : index
    %swap3A_407 = vector.load %arg2[%swap3A_404, %swap3A_405, %swap3A_406] : memref<128x104x128xf32, #tpu.memory_space<vmem>>, vector<1x104x128xf32>
    %swap3A_408 = vector.shape_cast %swap3A_407 : vector<1x104x128xf32> to vector<104x128xf32>
    %swap3A_409 = vector.shape_cast %convert_element_type3A_403 : vector<104x128xf32> to vector<1x104x128xf32>
    tpu.vector_store %arg2[%swap3A_404, %swap3A_405, %swap3A_406], %swap3A_409 {strides = array<i32>} : memref<128x104x128xf32, #tpu.memory_space<vmem>>, vector<1x104x128xf32>,
    %mul3A_410 = arith.constant 128 : i32
    %mul3A_411 = arith.muli %arg0, %mul3A_410 : i32
    %add3A_412 = arith.constant 26 : i32
    %add3A_413 = arith.addi %mul3A_411, %add3A_412 : i32
    %get3A_414 = arith.index_cast %add3A_413 : i32 to index
    %get3A_415 = memref.load %arg1[%get3A_414] : memref<8192xi32, #tpu.memory_space<smem>>
    %lt3A_416 = vector.broadcast %get3A_415 : i32 to vector<104x128xi32>
    %lt3A_417 = arith.cmpi slt, %iota3A, %lt3A_416 : vector<104x128xi32>
    %convert_element_type3A_418 = arith.extui %lt3A_417 : vector<104x128xi1> to vector<104x128xi32>
    %convert_element_type3A_419 = arith.sitofp %convert_element_type3A_418 : vector<104x128xi32> to vector<104x128xf32>
    %swap3A_420 = arith.constant 26 : index
    %swap3A_421 = arith.constant 0 : index
    %swap3A_422 = arith.constant 0 : index
    %swap3A_423 = vector.load %arg2[%swap3A_420, %swap3A_421, %swap3A_422] : memref<128x104x128xf32, #tpu.memory_space<vmem>>, vector<1x104x128xf32>
    %swap3A_424 = vector.shape_cast %swap3A_423 : vector<1x104x128xf32> to vector<104x128xf32>
    %swap3A_425 = vector.shape_cast %convert_element_type3A_419 : vector<104x128xf32> to vector<1x104x128xf32>
    tpu.vector_store %arg2[%swap3A_420, %swap3A_421, %swap3A_422], %swap3A_425 {strides = array<i32>} : memref<128x104x128xf32, #tpu.memory_space<vmem>>, vector<1x104x128xf32>,
    %mul3A_426 = arith.constant 128 : i32
    %mul3A_427 = arith.muli %arg0, %mul3A_426 : i32
    %add3A_428 = arith.constant 27 : i32
    %add3A_429 = arith.addi %mul3A_427, %add3A_428 : i32
    %get3A_430 = arith.index_cast %add3A_429 : i32 to index
    %get3A_431 = memref.load %arg1[%get3A_430] : memref<8192xi32, #tpu.memory_space<smem>>
    %lt3A_432 = vector.broadcast %get3A_431 : i32 to vector<104x128xi32>
    %lt3A_433 = arith.cmpi slt, %iota3A, %lt3A_432 : vector<104x128xi32>
    %convert_element_type3A_434 = arith.extui %lt3A_433 : vector<104x128xi1> to vector<104x128xi32>
    %convert_element_type3A_435 = arith.sitofp %convert_element_type3A_434 : vector<104x128xi32> to vector<104x128xf32>
    %swap3A_436 = arith.constant 27 : index
    %swap3A_437 = arith.constant 0 : index
    %swap3A_438 = arith.constant 0 : index
    %swap3A_439 = vector.load %arg2[%swap3A_436, %swap3A_437, %swap3A_438] : memref<128x104x128xf32, #tpu.memory_space<vmem>>, vector<1x104x128xf32>
    %swap3A_440 = vector.shape_cast %swap3A_439 : vector<1x104x128xf32> to vector<104x128xf32>
    %swap3A_441 = vector.shape_cast %convert_element_type3A_435 : vector<104x128xf32> to vector<1x104x128xf32>
    tpu.vector_store %arg2[%swap3A_436, %swap3A_437, %swap3A_438], %swap3A_441 {strides = array<i32>} : memref<128x104x128xf32, #tpu.memory_space<vmem>>, vector<1x104x128xf32>,
    %mul3A_442 = arith.constant 128 : i32
    %mul3A_443 = arith.muli %arg0, %mul3A_442 : i32
    %add3A_444 = arith.constant 28 : i32
    %add3A_445 = arith.addi %mul3A_443, %add3A_444 : i32
    %get3A_446 = arith.index_cast %add3A_445 : i32 to index
    %get3A_447 = memref.load %arg1[%get3A_446] : memref<8192xi32, #tpu.memory_space<smem>>
    %lt3A_448 = vector.broadcast %get3A_447 : i32 to vector<104x128xi32>
    %lt3A_449 = arith.cmpi slt, %iota3A, %lt3A_448 : vector<104x128xi32>
    %convert_element_type3A_450 = arith.extui %lt3A_449 : vector<104x128xi1> to vector<104x128xi32>
    %convert_element_type3A_451 = arith.sitofp %convert_element_type3A_450 : vector<104x128xi32> to vector<104x128xf32>
    %swap3A_452 = arith.constant 28 : index
    %swap3A_453 = arith.constant 0 : index
    %swap3A_454 = arith.constant 0 : index
    %swap3A_455 = vector.load %arg2[%swap3A_452, %swap3A_453, %swap3A_454] : memref<128x104x128xf32, #tpu.memory_space<vmem>>, vector<1x104x128xf32>
    %swap3A_456 = vector.shape_cast %swap3A_455 : vector<1x104x128xf32> to vector<104x128xf32>
    %swap3A_457 = vector.shape_cast %convert_element_type3A_451 : vector<104x128xf32> to vector<1x104x128xf32>
    tpu.vector_store %arg2[%swap3A_452, %swap3A_453, %swap3A_454], %swap3A_457 {strides = array<i32>} : memref<128x104x128xf32, #tpu.memory_space<vmem>>, vector<1x104x128xf32>,
    %mul3A_458 = arith.constant 128 : i32
    %mul3A_459 = arith.muli %arg0, %mul3A_458 : i32
    %add3A_460 = arith.constant 29 : i32
    %add3A_461 = arith.addi %mul3A_459, %add3A_460 : i32
    %get3A_462 = arith.index_cast %add3A_461 : i32 to index
    %get3A_463 = memref.load %arg1[%get3A_462] : memref<8192xi32, #tpu.memory_space<smem>>
    %lt3A_464 = vector.broadcast %get3A_463 : i32 to vector<104x128xi32>
    %lt3A_465 = arith.cmpi slt, %iota3A, %lt3A_464 : vector<104x128xi32>
    %convert_element_type3A_466 = arith.extui %lt3A_465 : vector<104x128xi1> to vector<104x128xi32>
    %convert_element_type3A_467 = arith.sitofp %convert_element_type3A_466 : vector<104x128xi32> to vector<104x128xf32>
    %swap3A_468 = arith.constant 29 : index
    %swap3A_469 = arith.constant 0 : index
    %swap3A_470 = arith.constant 0 : index
    %swap3A_471 = vector.load %arg2[%swap3A_468, %swap3A_469, %swap3A_470] : memref<128x104x128xf32, #tpu.memory_space<vmem>>, vector<1x104x128xf32>
    %swap3A_472 = vector.shape_cast %swap3A_471 : vector<1x104x128xf32> to vector<104x128xf32>
    %swap3A_473 = vector.shape_cast %convert_element_type3A_467 : vector<104x128xf32> to vector<1x104x128xf32>
    tpu.vector_store %arg2[%swap3A_468, %swap3A_469, %swap3A_470], %swap3A_473 {strides = array<i32>} : memref<128x104x128xf32, #tpu.memory_space<vmem>>, vector<1x104x128xf32>,
    %mul3A_474 = arith.constant 128 : i32
    %mul3A_475 = arith.muli %arg0, %mul3A_474 : i32
    %add3A_476 = arith.constant 30 : i32
    %add3A_477 = arith.addi %mul3A_475, %add3A_476 : i32
    %get3A_478 = arith.index_cast %add3A_477 : i32 to index
    %get3A_479 = memref.load %arg1[%get3A_478] : memref<8192xi32, #tpu.memory_space<smem>>
    %lt3A_480 = vector.broadcast %get3A_479 : i32 to vector<104x128xi32>
    %lt3A_481 = arith.cmpi slt, %iota3A, %lt3A_480 : vector<104x128xi32>
    %convert_element_type3A_482 = arith.extui %lt3A_481 : vector<104x128xi1> to vector<104x128xi32>
    %convert_element_type3A_483 = arith.sitofp %convert_element_type3A_482 : vector<104x128xi32> to vector<104x128xf32>
    %swap3A_484 = arith.constant 30 : index
    %swap3A_485 = arith.constant 0 : index
    %swap3A_486 = arith.constant 0 : index
    %swap3A_487 = vector.load %arg2[%swap3A_484, %swap3A_485, %swap3A_486] : memref<128x104x128xf32, #tpu.memory_space<vmem>>, vector<1x104x128xf32>
    %swap3A_488 = vector.shape_cast %swap3A_487 : vector<1x104x128xf32> to vector<104x128xf32>
    %swap3A_489 = vector.shape_cast %convert_element_type3A_483 : vector<104x128xf32> to vector<1x104x128xf32>
    tpu.vector_store %arg2[%swap3A_484, %swap3A_485, %swap3A_486], %swap3A_489 {strides = array<i32>} : memref<128x104x128xf32, #tpu.memory_space<vmem>>, vector<1x104x128xf32>,
    %mul3A_490 = arith.constant 128 : i32
    %mul3A_491 = arith.muli %arg0, %mul3A_490 : i32
    %add3A_492 = arith.constant 31 : i32
    %add3A_493 = arith.addi %mul3A_491, %add3A_492 : i32
    %get3A_494 = arith.index_cast %add3A_493 : i32 to index
    %get3A_495 = memref.load %arg1[%get3A_494] : memref<8192xi32, #tpu.memory_space<smem>>
    %lt3A_496 = vector.broadcast %get3A_495 : i32 to vector<104x128xi32>
    %lt3A_497 = arith.cmpi slt, %iota3A, %lt3A_496 : vector<104x128xi32>
    %convert_element_type3A_498 = arith.extui %lt3A_497 : vector<104x128xi1> to vector<104x128xi32>
    %convert_element_type3A_499 = arith.sitofp %convert_element_type3A_498 : vector<104x128xi32> to vector<104x128xf32>
    %swap3A_500 = arith.constant 31 : index
    %swap3A_501 = arith.constant 0 : index
    %swap3A_502 = arith.constant 0 : index
    %swap3A_503 = vector.load %arg2[%swap3A_500, %swap3A_501, %swap3A_502] : memref<128x104x128xf32, #tpu.memory_space<vmem>>, vector<1x104x128xf32>
    %swap3A_504 = vector.shape_cast %swap3A_503 : vector<1x104x128xf32> to vector<104x128xf32>
    %swap3A_505 = vector.shape_cast %convert_element_type3A_499 : vector<104x128xf32> to vector<1x104x128xf32>
    tpu.vector_store %arg2[%swap3A_500, %swap3A_501, %swap3A_502], %swap3A_505 {strides = array<i32>} : memref<128x104x128xf32, #tpu.memory_space<vmem>>, vector<1x104x128xf32>,
    %mul3A_506 = arith.constant 128 : i32
    %mul3A_507 = arith.muli %arg0, %mul3A_506 : i32
    %add3A_508 = arith.constant 32 : i32
    %add3A_509 = arith.addi %mul3A_507, %add3A_508 : i32
    %get3A_510 = arith.index_cast %add3A_509 : i32 to index
    %get3A_511 = memref.load %arg1[%get3A_510] : memref<8192xi32, #tpu.memory_space<smem>>
    %lt3A_512 = vector.broadcast %get3A_511 : i32 to vector<104x128xi32>
    %lt3A_513 = arith.cmpi slt, %iota3A, %lt3A_512 : vector<104x128xi32>
    %convert_element_type3A_514 = arith.extui %lt3A_513 : vector<104x128xi1> to vector<104x128xi32>
    %convert_element_type3A_515 = arith.sitofp %convert_element_type3A_514 : vector<104x128xi32> to vector<104x128xf32>
    %swap3A_516 = arith.constant 32 : index
    %swap3A_517 = arith.constant 0 : index
    %swap3A_518 = arith.constant 0 : index
    %swap3A_519 = vector.load %arg2[%swap3A_516, %swap3A_517, %swap3A_518] : memref<128x104x128xf32, #tpu.memory_space<vmem>>, vector<1x104x128xf32>
    %swap3A_520 = vector.shape_cast %swap3A_519 : vector<1x104x128xf32> to vector<104x128xf32>
    %swap3A_521 = vector.shape_cast %convert_element_type3A_515 : vector<104x128xf32> to vector<1x104x128xf32>
    tpu.vector_store %arg2[%swap3A_516, %swap3A_517, %swap3A_518], %swap3A_521 {strides = array<i32>} : memref<128x104x128xf32, #tpu.memory_space<vmem>>, vector<1x104x128xf32>,
    %mul3A_522 = arith.constant 128 : i32
    %mul3A_523 = arith.muli %arg0, %mul3A_522 : i32
    %add3A_524 = arith.constant 33 : i32
    %add3A_525 = arith.addi %mul3A_523, %add3A_524 : i32
    %get3A_526 = arith.index_cast %add3A_525 : i32 to index
    %get3A_527 = memref.load %arg1[%get3A_526] : memref<8192xi32, #tpu.memory_space<smem>>
    %lt3A_528 = vector.broadcast %get3A_527 : i32 to vector<104x128xi32>
    %lt3A_529 = arith.cmpi slt, %iota3A, %lt3A_528 : vector<104x128xi32>
    %convert_element_type3A_530 = arith.extui %lt3A_529 : vector<104x128xi1> to vector<104x128xi32>
    %convert_element_type3A_531 = arith.sitofp %convert_element_type3A_530 : vector<104x128xi32> to vector<104x128xf32>
    %swap3A_532 = arith.constant 33 : index
    %swap3A_533 = arith.constant 0 : index
    %swap3A_534 = arith.constant 0 : index
    %swap3A_535 = vector.load %arg2[%swap3A_532, %swap3A_533, %swap3A_534] : memref<128x104x128xf32, #tpu.memory_space<vmem>>, vector<1x104x128xf32>
    %swap3A_536 = vector.shape_cast %swap3A_535 : vector<1x104x128xf32> to vector<104x128xf32>
    %swap3A_537 = vector.shape_cast %convert_element_type3A_531 : vector<104x128xf32> to vector<1x104x128xf32>
    tpu.vector_store %arg2[%swap3A_532, %swap3A_533, %swap3A_534], %swap3A_537 {strides = array<i32>} : memref<128x104x128xf32, #tpu.memory_space<vmem>>, vector<1x104x128xf32>,
    %mul3A_538 = arith.constant 128 : i32
    %mul3A_539 = arith.muli %arg0, %mul3A_538 : i32
    %add3A_540 = arith.constant 34 : i32
    %add3A_541 = arith.addi %mul3A_539, %add3A_540 : i32
    %get3A_542 = arith.index_cast %add3A_541 : i32 to index
    %get3A_543 = memref.load %arg1[%get3A_542] : memref<8192xi32, #tpu.memory_space<smem>>
    %lt3A_544 = vector.broadcast %get3A_543 : i32 to vector<104x128xi32>
    %lt3A_545 = arith.cmpi slt, %iota3A, %lt3A_544 : vector<104x128xi32>
    %convert_element_type3A_546 = arith.extui %lt3A_545 : vector<104x128xi1> to vector<104x128xi32>
    %convert_element_type3A_547 = arith.sitofp %convert_element_type3A_546 : vector<104x128xi32> to vector<104x128xf32>
    %swap3A_548 = arith.constant 34 : index
    %swap3A_549 = arith.constant 0 : index
    %swap3A_550 = arith.constant 0 : index
    %swap3A_551 = vector.load %arg2[%swap3A_548, %swap3A_549, %swap3A_550] : memref<128x104x128xf32, #tpu.memory_space<vmem>>, vector<1x104x128xf32>
    %swap3A_552 = vector.shape_cast %swap3A_551 : vector<1x104x128xf32> to vector<104x128xf32>
    %swap3A_553 = vector.shape_cast %convert_element_type3A_547 : vector<104x128xf32> to vector<1x104x128xf32>
    tpu.vector_store %arg2[%swap3A_548, %swap3A_549, %swap3A_550], %swap3A_553 {strides = array<i32>} : memref<128x104x128xf32, #tpu.memory_space<vmem>>, vector<1x104x128xf32>,
    %mul3A_554 = arith.constant 128 : i32
    %mul3A_555 = arith.muli %arg0, %mul3A_554 : i32
    %add3A_556 = arith.constant 35 : i32
    %add3A_557 = arith.addi %mul3A_555, %add3A_556 : i32
    %get3A_558 = arith.index_cast %add3A_557 : i32 to index
    %get3A_559 = memref.load %arg1[%get3A_558] : memref<8192xi32, #tpu.memory_space<smem>>
    %lt3A_560 = vector.broadcast %get3A_559 : i32 to vector<104x128xi32>
    %lt3A_561 = arith.cmpi slt, %iota3A, %lt3A_560 : vector<104x128xi32>
    %convert_element_type3A_562 = arith.extui %lt3A_561 : vector<104x128xi1> to vector<104x128xi32>
    %convert_element_type3A_563 = arith.sitofp %convert_element_type3A_562 : vector<104x128xi32> to vector<104x128xf32>
    %swap3A_564 = arith.constant 35 : index
    %swap3A_565 = arith.constant 0 : index
    %swap3A_566 = arith.constant 0 : index
    %swap3A_567 = vector.load %arg2[%swap3A_564, %swap3A_565, %swap3A_566] : memref<128x104x128xf32, #tpu.memory_space<vmem>>, vector<1x104x128xf32>
    %swap3A_568 = vector.shape_cast %swap3A_567 : vector<1x104x128xf32> to vector<104x128xf32>
    %swap3A_569 = vector.shape_cast %convert_element_type3A_563 : vector<104x128xf32> to vector<1x104x128xf32>
    tpu.vector_store %arg2[%swap3A_564, %swap3A_565, %swap3A_566], %swap3A_569 {strides = array<i32>} : memref<128x104x128xf32, #tpu.memory_space<vmem>>, vector<1x104x128xf32>,
    %mul3A_570 = arith.constant 128 : i32
    %mul3A_571 = arith.muli %arg0, %mul3A_570 : i32
    %add3A_572 = arith.constant 36 : i32
    %add3A_573 = arith.addi %mul3A_571, %add3A_572 : i32
    %get3A_574 = arith.index_cast %add3A_573 : i32 to index
    %get3A_575 = memref.load %arg1[%get3A_574] : memref<8192xi32, #tpu.memory_space<smem>>
    %lt3A_576 = vector.broadcast %get3A_575 : i32 to vector<104x128xi32>
    %lt3A_577 = arith.cmpi slt, %iota3A, %lt3A_576 : vector<104x128xi32>
    %convert_element_type3A_578 = arith.extui %lt3A_577 : vector<104x128xi1> to vector<104x128xi32>
    %convert_element_type3A_579 = arith.sitofp %convert_element_type3A_578 : vector<104x128xi32> to vector<104x128xf32>
    %swap3A_580 = arith.constant 36 : index
    %swap3A_581 = arith.constant 0 : index
    %swap3A_582 = arith.constant 0 : index
    %swap3A_583 = vector.load %arg2[%swap3A_580, %swap3A_581, %swap3A_582] : memref<128x104x128xf32, #tpu.memory_space<vmem>>, vector<1x104x128xf32>
    %swap3A_584 = vector.shape_cast %swap3A_583 : vector<1x104x128xf32> to vector<104x128xf32>
    %swap3A_585 = vector.shape_cast %convert_element_type3A_579 : vector<104x128xf32> to vector<1x104x128xf32>
    tpu.vector_store %arg2[%swap3A_580, %swap3A_581, %swap3A_582], %swap3A_585 {strides = array<i32>} : memref<128x104x128xf32, #tpu.memory_space<vmem>>, vector<1x104x128xf32>,
    %mul3A_586 = arith.constant 128 : i32
    %mul3A_587 = arith.muli %arg0, %mul3A_586 : i32
    %add3A_588 = arith.constant 37 : i32
    %add3A_589 = arith.addi %mul3A_587, %add3A_588 : i32
    %get3A_590 = arith.index_cast %add3A_589 : i32 to index
    %get3A_591 = memref.load %arg1[%get3A_590] : memref<8192xi32, #tpu.memory_space<smem>>
    %lt3A_592 = vector.broadcast %get3A_591 : i32 to vector<104x128xi32>
    %lt3A_593 = arith.cmpi slt, %iota3A, %lt3A_592 : vector<104x128xi32>
    %convert_element_type3A_594 = arith.extui %lt3A_593 : vector<104x128xi1> to vector<104x128xi32>
    %convert_element_type3A_595 = arith.sitofp %convert_element_type3A_594 : vector<104x128xi32> to vector<104x128xf32>
    %swap3A_596 = arith.constant 37 : index
    %swap3A_597 = arith.constant 0 : index
    %swap3A_598 = arith.constant 0 : index
    %swap3A_599 = vector.load %arg2[%swap3A_596, %swap3A_597, %swap3A_598] : memref<128x104x128xf32, #tpu.memory_space<vmem>>, vector<1x104x128xf32>
    %swap3A_600 = vector.shape_cast %swap3A_599 : vector<1x104x128xf32> to vector<104x128xf32>
    %swap3A_601 = vector.shape_cast %convert_element_type3A_595 : vector<104x128xf32> to vector<1x104x128xf32>
    tpu.vector_store %arg2[%swap3A_596, %swap3A_597, %swap3A_598], %swap3A_601 {strides = array<i32>} : memref<128x104x128xf32, #tpu.memory_space<vmem>>, vector<1x104x128xf32>,
    %mul3A_602 = arith.constant 128 : i32
    %mul3A_603 = arith.muli %arg0, %mul3A_602 : i32
    %add3A_604 = arith.constant 38 : i32
    %add3A_605 = arith.addi %mul3A_603, %add3A_604 : i32
    %get3A_606 = arith.index_cast %add3A_605 : i32 to index
    %get3A_607 = memref.load %arg1[%get3A_606] : memref<8192xi32, #tpu.memory_space<smem>>
    %lt3A_608 = vector.broadcast %get3A_607 : i32 to vector<104x128xi32>
    %lt3A_609 = arith.cmpi slt, %iota3A, %lt3A_608 : vector<104x128xi32>
    %convert_element_type3A_610 = arith.extui %lt3A_609 : vector<104x128xi1> to vector<104x128xi32>
    %convert_element_type3A_611 = arith.sitofp %convert_element_type3A_610 : vector<104x128xi32> to vector<104x128xf32>
    %swap3A_612 = arith.constant 38 : index
    %swap3A_613 = arith.constant 0 : index
    %swap3A_614 = arith.constant 0 : index
    %swap3A_615 = vector.load %arg2[%swap3A_612, %swap3A_613, %swap3A_614] : memref<128x104x128xf32, #tpu.memory_space<vmem>>, vector<1x104x128xf32>
    %swap3A_616 = vector.shape_cast %swap3A_615 : vector<1x104x128xf32> to vector<104x128xf32>
    %swap3A_617 = vector.shape_cast %convert_element_type3A_611 : vector<104x128xf32> to vector<1x104x128xf32>
    tpu.vector_store %arg2[%swap3A_612, %swap3A_613, %swap3A_614], %swap3A_617 {strides = array<i32>} : memref<128x104x128xf32, #tpu.memory_space<vmem>>, vector<1x104x128xf32>,
    %mul3A_618 = arith.constant 128 : i32
    %mul3A_619 = arith.muli %arg0, %mul3A_618 : i32
    %add3A_620 = arith.constant 39 : i32
    %add3A_621 = arith.addi %mul3A_619, %add3A_620 : i32
    %get3A_622 = arith.index_cast %add3A_621 : i32 to index
    %get3A_623 = memref.load %arg1[%get3A_622] : memref<8192xi32, #tpu.memory_space<smem>>
    %lt3A_624 = vector.broadcast %get3A_623 : i32 to vector<104x128xi32>
    %lt3A_625 = arith.cmpi slt, %iota3A, %lt3A_624 : vector<104x128xi32>
    %convert_element_type3A_626 = arith.extui %lt3A_625 : vector<104x128xi1> to vector<104x128xi32>
    %convert_element_type3A_627 = arith.sitofp %convert_element_type3A_626 : vector<104x128xi32> to vector<104x128xf32>
    %swap3A_628 = arith.constant 39 : index
    %swap3A_629 = arith.constant 0 : index
    %swap3A_630 = arith.constant 0 : index
    %swap3A_631 = vector.load %arg2[%swap3A_628, %swap3A_629, %swap3A_630] : memref<128x104x128xf32, #tpu.memory_space<vmem>>, vector<1x104x128xf32>
    %swap3A_632 = vector.shape_cast %swap3A_631 : vector<1x104x128xf32> to vector<104x128xf32>
    %swap3A_633 = vector.shape_cast %convert_element_type3A_627 : vector<104x128xf32> to vector<1x104x128xf32>
    tpu.vector_store %arg2[%swap3A_628, %swap3A_629, %swap3A_630], %swap3A_633 {strides = array<i32>} : memref<128x104x128xf32, #tpu.memory_space<vmem>>, vector<1x104x128xf32>,
    %mul3A_634 = arith.constant 128 : i32
    %mul3A_635 = arith.muli %arg0, %mul3A_634 : i32
    %add3A_636 = arith.constant 40 : i32
    %add3A_637 = arith.addi %mul3A_635, %add3A_636 : i32
    %get3A_638 = arith.index_cast %add3A_637 : i32 to index
    %get3A_639 = memref.load %arg1[%get3A_638] : memref<8192xi32, #tpu.memory_space<smem>>
    %lt3A_640 = vector.broadcast %get3A_639 : i32 to vector<104x128xi32>
    %lt3A_641 = arith.cmpi slt, %iota3A, %lt3A_640 : vector<104x128xi32>
    %convert_element_type3A_642 = arith.extui %lt3A_641 : vector<104x128xi1> to vector<104x128xi32>
    %convert_element_type3A_643 = arith.sitofp %convert_element_type3A_642 : vector<104x128xi32> to vector<104x128xf32>
    %swap3A_644 = arith.constant 40 : index
    %swap3A_645 = arith.constant 0 : index
    %swap3A_646 = arith.constant 0 : index
    %swap3A_647 = vector.load %arg2[%swap3A_644, %swap3A_645, %swap3A_646] : memref<128x104x128xf32, #tpu.memory_space<vmem>>, vector<1x104x128xf32>
    %swap3A_648 = vector.shape_cast %swap3A_647 : vector<1x104x128xf32> to vector<104x128xf32>
    %swap3A_649 = vector.shape_cast %convert_element_type3A_643 : vector<104x128xf32> to vector<1x104x128xf32>
    tpu.vector_store %arg2[%swap3A_644, %swap3A_645, %swap3A_646], %swap3A_649 {strides = array<i32>} : memref<128x104x128xf32, #tpu.memory_space<vmem>>, vector<1x104x128xf32>,
    %mul3A_650 = arith.constant 128 : i32
    %mul3A_651 = arith.muli %arg0, %mul3A_650 : i32
    %add3A_652 = arith.constant 41 : i32
    %add3A_653 = arith.addi %mul3A_651, %add3A_652 : i32
    %get3A_654 = arith.index_cast %add3A_653 : i32 to index
    %get3A_655 = memref.load %arg1[%get3A_654] : memref<8192xi32, #tpu.memory_space<smem>>
    %lt3A_656 = vector.broadcast %get3A_655 : i32 to vector<104x128xi32>
    %lt3A_657 = arith.cmpi slt, %iota3A, %lt3A_656 : vector<104x128xi32>
    %convert_element_type3A_658 = arith.extui %lt3A_657 : vector<104x128xi1> to vector<104x128xi32>
    %convert_element_type3A_659 = arith.sitofp %convert_element_type3A_658 : vector<104x128xi32> to vector<104x128xf32>
    %swap3A_660 = arith.constant 41 : index
    %swap3A_661 = arith.constant 0 : index
    %swap3A_662 = arith.constant 0 : index
    %swap3A_663 = vector.load %arg2[%swap3A_660, %swap3A_661, %swap3A_662] : memref<128x104x128xf32, #tpu.memory_space<vmem>>, vector<1x104x128xf32>
    %swap3A_664 = vector.shape_cast %swap3A_663 : vector<1x104x128xf32> to vector<104x128xf32>
    %swap3A_665 = vector.shape_cast %convert_element_type3A_659 : vector<104x128xf32> to vector<1x104x128xf32>
    tpu.vector_store %arg2[%swap3A_660, %swap3A_661, %swap3A_662], %swap3A_665 {strides = array<i32>} : memref<128x104x128xf32, #tpu.memory_space<vmem>>, vector<1x104x128xf32>,
    %mul3A_666 = arith.constant 128 : i32
    %mul3A_667 = arith.muli %arg0, %mul3A_666 : i32
    %add3A_668 = arith.constant 42 : i32
    %add3A_669 = arith.addi %mul3A_667, %add3A_668 : i32
    %get3A_670 = arith.index_cast %add3A_669 : i32 to index
    %get3A_671 = memref.load %arg1[%get3A_670] : memref<8192xi32, #tpu.memory_space<smem>>
    %lt3A_672 = vector.broadcast %get3A_671 : i32 to vector<104x128xi32>
    %lt3A_673 = arith.cmpi slt, %iota3A, %lt3A_672 : vector<104x128xi32>
    %convert_element_type3A_674 = arith.extui %lt3A_673 : vector<104x128xi1> to vector<104x128xi32>
    %convert_element_type3A_675 = arith.sitofp %convert_element_type3A_674 : vector<104x128xi32> to vector<104x128xf32>
    %swap3A_676 = arith.constant 42 : index
    %swap3A_677 = arith.constant 0 : index
    %swap3A_678 = arith.constant 0 : index
    %swap3A_679 = vector.load %arg2[%swap3A_676, %swap3A_677, %swap3A_678] : memref<128x104x128xf32, #tpu.memory_space<vmem>>, vector<1x104x128xf32>
    %swap3A_680 = vector.shape_cast %swap3A_679 : vector<1x104x128xf32> to vector<104x128xf32>
    %swap3A_681 = vector.shape_cast %convert_element_type3A_675 : vector<104x128xf32> to vector<1x104x128xf32>
    tpu.vector_store %arg2[%swap3A_676, %swap3A_677, %swap3A_678], %swap3A_681 {strides = array<i32>} : memref<128x104x128xf32, #tpu.memory_space<vmem>>, vector<1x104x128xf32>,
    %mul3A_682 = arith.constant 128 : i32
    %mul3A_683 = arith.muli %arg0, %mul3A_682 : i32
    %add3A_684 = arith.constant 43 : i32
    %add3A_685 = arith.addi %mul3A_683, %add3A_684 : i32
    %get3A_686 = arith.index_cast %add3A_685 : i32 to index
    %get3A_687 = memref.load %arg1[%get3A_686] : memref<8192xi32, #tpu.memory_space<smem>>
    %lt3A_688 = vector.broadcast %get3A_687 : i32 to vector<104x128xi32>
    %lt3A_689 = arith.cmpi slt, %iota3A, %lt3A_688 : vector<104x128xi32>
    %convert_element_type3A_690 = arith.extui %lt3A_689 : vector<104x128xi1> to vector<104x128xi32>
    %convert_element_type3A_691 = arith.sitofp %convert_element_type3A_690 : vector<104x128xi32> to vector<104x128xf32>
    %swap3A_692 = arith.constant 43 : index
    %swap3A_693 = arith.constant 0 : index
    %swap3A_694 = arith.constant 0 : index
    %swap3A_695 = vector.load %arg2[%swap3A_692, %swap3A_693, %swap3A_694] : memref<128x104x128xf32, #tpu.memory_space<vmem>>, vector<1x104x128xf32>
    %swap3A_696 = vector.shape_cast %swap3A_695 : vector<1x104x128xf32> to vector<104x128xf32>
    %swap3A_697 = vector.shape_cast %convert_element_type3A_691 : vector<104x128xf32> to vector<1x104x128xf32>
    tpu.vector_store %arg2[%swap3A_692, %swap3A_693, %swap3A_694], %swap3A_697 {strides = array<i32>} : memref<128x104x128xf32, #tpu.memory_space<vmem>>, vector<1x104x128xf32>,
    %mul3A_698 = arith.constant 128 : i32
    %mul3A_699 = arith.muli %arg0, %mul3A_698 : i32
    %add3A_700 = arith.constant 44 : i32
    %add3A_701 = arith.addi %mul3A_699, %add3A_700 : i32
    %get3A_702 = arith.index_cast %add3A_701 : i32 to index
    %get3A_703 = memref.load %arg1[%get3A_702] : memref<8192xi32, #tpu.memory_space<smem>>
    %lt3A_704 = vector.broadcast %get3A_703 : i32 to vector<104x128xi32>
    %lt3A_705 = arith.cmpi slt, %iota3A, %lt3A_704 : vector<104x128xi32>
    %convert_element_type3A_706 = arith.extui %lt3A_705 : vector<104x128xi1> to vector<104x128xi32>
    %convert_element_type3A_707 = arith.sitofp %convert_element_type3A_706 : vector<104x128xi32> to vector<104x128xf32>
    %swap3A_708 = arith.constant 44 : index
    %swap3A_709 = arith.constant 0 : index
    %swap3A_710 = arith.constant 0 : index
    %swap3A_711 = vector.load %arg2[%swap3A_708, %swap3A_709, %swap3A_710] : memref<128x104x128xf32, #tpu.memory_space<vmem>>, vector<1x104x128xf32>
    %swap3A_712 = vector.shape_cast %swap3A_711 : vector<1x104x128xf32> to vector<104x128xf32>
    %swap3A_713 = vector.shape_cast %convert_element_type3A_707 : vector<104x128xf32> to vector<1x104x128xf32>
    tpu.vector_store %arg2[%swap3A_708, %swap3A_709, %swap3A_710], %swap3A_713 {strides = array<i32>} : memref<128x104x128xf32, #tpu.memory_space<vmem>>, vector<1x104x128xf32>,
    %mul3A_714 = arith.constant 128 : i32
    %mul3A_715 = arith.muli %arg0, %mul3A_714 : i32
    %add3A_716 = arith.constant 45 : i32
    %add3A_717 = arith.addi %mul3A_715, %add3A_716 : i32
    %get3A_718 = arith.index_cast %add3A_717 : i32 to index
    %get3A_719 = memref.load %arg1[%get3A_718] : memref<8192xi32, #tpu.memory_space<smem>>
    %lt3A_720 = vector.broadcast %get3A_719 : i32 to vector<104x128xi32>
    %lt3A_721 = arith.cmpi slt, %iota3A, %lt3A_720 : vector<104x128xi32>
    %convert_element_type3A_722 = arith.extui %lt3A_721 : vector<104x128xi1> to vector<104x128xi32>
    %convert_element_type3A_723 = arith.sitofp %convert_element_type3A_722 : vector<104x128xi32> to vector<104x128xf32>
    %swap3A_724 = arith.constant 45 : index
    %swap3A_725 = arith.constant 0 : index
    %swap3A_726 = arith.constant 0 : index
    %swap3A_727 = vector.load %arg2[%swap3A_724, %swap3A_725, %swap3A_726] : memref<128x104x128xf32, #tpu.memory_space<vmem>>, vector<1x104x128xf32>
    %swap3A_728 = vector.shape_cast %swap3A_727 : vector<1x104x128xf32> to vector<104x128xf32>
    %swap3A_729 = vector.shape_cast %convert_element_type3A_723 : vector<104x128xf32> to vector<1x104x128xf32>
    tpu.vector_store %arg2[%swap3A_724, %swap3A_725, %swap3A_726], %swap3A_729 {strides = array<i32>} : memref<128x104x128xf32, #tpu.memory_space<vmem>>, vector<1x104x128xf32>,
    %mul3A_730 = arith.constant 128 : i32
    %mul3A_731 = arith.muli %arg0, %mul3A_730 : i32
    %add3A_732 = arith.constant 46 : i32
    %add3A_733 = arith.addi %mul3A_731, %add3A_732 : i32
    %get3A_734 = arith.index_cast %add3A_733 : i32 to index
    %get3A_735 = memref.load %arg1[%get3A_734] : memref<8192xi32, #tpu.memory_space<smem>>
    %lt3A_736 = vector.broadcast %get3A_735 : i32 to vector<104x128xi32>
    %lt3A_737 = arith.cmpi slt, %iota3A, %lt3A_736 : vector<104x128xi32>
    %convert_element_type3A_738 = arith.extui %lt3A_737 : vector<104x128xi1> to vector<104x128xi32>
    %convert_element_type3A_739 = arith.sitofp %convert_element_type3A_738 : vector<104x128xi32> to vector<104x128xf32>
    %swap3A_740 = arith.constant 46 : index
    %swap3A_741 = arith.constant 0 : index
    %swap3A_742 = arith.constant 0 : index
    %swap3A_743 = vector.load %arg2[%swap3A_740, %swap3A_741, %swap3A_742] : memref<128x104x128xf32, #tpu.memory_space<vmem>>, vector<1x104x128xf32>
    %swap3A_744 = vector.shape_cast %swap3A_743 : vector<1x104x128xf32> to vector<104x128xf32>
    %swap3A_745 = vector.shape_cast %convert_element_type3A_739 : vector<104x128xf32> to vector<1x104x128xf32>
    tpu.vector_store %arg2[%swap3A_740, %swap3A_741, %swap3A_742], %swap3A_745 {strides = array<i32>} : memref<128x104x128xf32, #tpu.memory_space<vmem>>, vector<1x104x128xf32>,
    %mul3A_746 = arith.constant 128 : i32
    %mul3A_747 = arith.muli %arg0, %mul3A_746 : i32
    %add3A_748 = arith.constant 47 : i32
    %add3A_749 = arith.addi %mul3A_747, %add3A_748 : i32
    %get3A_750 = arith.index_cast %add3A_749 : i32 to index
    %get3A_751 = memref.load %arg1[%get3A_750] : memref<8192xi32, #tpu.memory_space<smem>>
    %lt3A_752 = vector.broadcast %get3A_751 : i32 to vector<104x128xi32>
    %lt3A_753 = arith.cmpi slt, %iota3A, %lt3A_752 : vector<104x128xi32>
    %convert_element_type3A_754 = arith.extui %lt3A_753 : vector<104x128xi1> to vector<104x128xi32>
    %convert_element_type3A_755 = arith.sitofp %convert_element_type3A_754 : vector<104x128xi32> to vector<104x128xf32>
    %swap3A_756 = arith.constant 47 : index
    %swap3A_757 = arith.constant 0 : index
    %swap3A_758 = arith.constant 0 : index
    %swap3A_759 = vector.load %arg2[%swap3A_756, %swap3A_757, %swap3A_758] : memref<128x104x128xf32, #tpu.memory_space<vmem>>, vector<1x104x128xf32>
    %swap3A_760 = vector.shape_cast %swap3A_759 : vector<1x104x128xf32> to vector<104x128xf32>
    %swap3A_761 = vector.shape_cast %convert_element_type3A_755 : vector<104x128xf32> to vector<1x104x128xf32>
    tpu.vector_store %arg2[%swap3A_756, %swap3A_757, %swap3A_758], %swap3A_761 {strides = array<i32>} : memref<128x104x128xf32, #tpu.memory_space<vmem>>, vector<1x104x128xf32>,
    %mul3A_762 = arith.constant 128 : i32
    %mul3A_763 = arith.muli %arg0, %mul3A_762 : i32
    %add3A_764 = arith.constant 48 : i32
    %add3A_765 = arith.addi %mul3A_763, %add3A_764 : i32
    %get3A_766 = arith.index_cast %add3A_765 : i32 to index
    %get3A_767 = memref.load %arg1[%get3A_766] : memref<8192xi32, #tpu.memory_space<smem>>
    %lt3A_768 = vector.broadcast %get3A_767 : i32 to vector<104x128xi32>
    %lt3A_769 = arith.cmpi slt, %iota3A, %lt3A_768 : vector<104x128xi32>
    %convert_element_type3A_770 = arith.extui %lt3A_769 : vector<104x128xi1> to vector<104x128xi32>
    %convert_element_type3A_771 = arith.sitofp %convert_element_type3A_770 : vector<104x128xi32> to vector<104x128xf32>
    %swap3A_772 = arith.constant 48 : index
    %swap3A_773 = arith.constant 0 : index
    %swap3A_774 = arith.constant 0 : index
    %swap3A_775 = vector.load %arg2[%swap3A_772, %swap3A_773, %swap3A_774] : memref<128x104x128xf32, #tpu.memory_space<vmem>>, vector<1x104x128xf32>
    %swap3A_776 = vector.shape_cast %swap3A_775 : vector<1x104x128xf32> to vector<104x128xf32>
    %swap3A_777 = vector.shape_cast %convert_element_type3A_771 : vector<104x128xf32> to vector<1x104x128xf32>
    tpu.vector_store %arg2[%swap3A_772, %swap3A_773, %swap3A_774], %swap3A_777 {strides = array<i32>} : memref<128x104x128xf32, #tpu.memory_space<vmem>>, vector<1x104x128xf32>,
    %mul3A_778 = arith.constant 128 : i32
    %mul3A_779 = arith.muli %arg0, %mul3A_778 : i32
    %add3A_780 = arith.constant 49 : i32
    %add3A_781 = arith.addi %mul3A_779, %add3A_780 : i32
    %get3A_782 = arith.index_cast %add3A_781 : i32 to index
    %get3A_783 = memref.load %arg1[%get3A_782] : memref<8192xi32, #tpu.memory_space<smem>>
    %lt3A_784 = vector.broadcast %get3A_783 : i32 to vector<104x128xi32>
    %lt3A_785 = arith.cmpi slt, %iota3A, %lt3A_784 : vector<104x128xi32>
    %convert_element_type3A_786 = arith.extui %lt3A_785 : vector<104x128xi1> to vector<104x128xi32>
    %convert_element_type3A_787 = arith.sitofp %convert_element_type3A_786 : vector<104x128xi32> to vector<104x128xf32>
    %swap3A_788 = arith.constant 49 : index
    %swap3A_789 = arith.constant 0 : index
    %swap3A_790 = arith.constant 0 : index
    %swap3A_791 = vector.load %arg2[%swap3A_788, %swap3A_789, %swap3A_790] : memref<128x104x128xf32, #tpu.memory_space<vmem>>, vector<1x104x128xf32>
    %swap3A_792 = vector.shape_cast %swap3A_791 : vector<1x104x128xf32> to vector<104x128xf32>
    %swap3A_793 = vector.shape_cast %convert_element_type3A_787 : vector<104x128xf32> to vector<1x104x128xf32>
    tpu.vector_store %arg2[%swap3A_788, %swap3A_789, %swap3A_790], %swap3A_793 {strides = array<i32>} : memref<128x104x128xf32, #tpu.memory_space<vmem>>, vector<1x104x128xf32>,
    %mul3A_794 = arith.constant 128 : i32
    %mul3A_795 = arith.muli %arg0, %mul3A_794 : i32
    %add3A_796 = arith.constant 50 : i32
    %add3A_797 = arith.addi %mul3A_795, %add3A_796 : i32
    %get3A_798 = arith.index_cast %add3A_797 : i32 to index
    %get3A_799 = memref.load %arg1[%get3A_798] : memref<8192xi32, #tpu.memory_space<smem>>
    %lt3A_800 = vector.broadcast %get3A_799 : i32 to vector<104x128xi32>
    %lt3A_801 = arith.cmpi slt, %iota3A, %lt3A_800 : vector<104x128xi32>
    %convert_element_type3A_802 = arith.extui %lt3A_801 : vector<104x128xi1> to vector<104x128xi32>
    %convert_element_type3A_803 = arith.sitofp %convert_element_type3A_802 : vector<104x128xi32> to vector<104x128xf32>
    %swap3A_804 = arith.constant 50 : index
    %swap3A_805 = arith.constant 0 : index
    %swap3A_806 = arith.constant 0 : index
    %swap3A_807 = vector.load %arg2[%swap3A_804, %swap3A_805, %swap3A_806] : memref<128x104x128xf32, #tpu.memory_space<vmem>>, vector<1x104x128xf32>
    %swap3A_808 = vector.shape_cast %swap3A_807 : vector<1x104x128xf32> to vector<104x128xf32>
    %swap3A_809 = vector.shape_cast %convert_element_type3A_803 : vector<104x128xf32> to vector<1x104x128xf32>
    tpu.vector_store %arg2[%swap3A_804, %swap3A_805, %swap3A_806], %swap3A_809 {strides = array<i32>} : memref<128x104x128xf32, #tpu.memory_space<vmem>>, vector<1x104x128xf32>,
    %mul3A_810 = arith.constant 128 : i32
    %mul3A_811 = arith.muli %arg0, %mul3A_810 : i32
    %add3A_812 = arith.constant 51 : i32
    %add3A_813 = arith.addi %mul3A_811, %add3A_812 : i32
    %get3A_814 = arith.index_cast %add3A_813 : i32 to index
    %get3A_815 = memref.load %arg1[%get3A_814] : memref<8192xi32, #tpu.memory_space<smem>>
    %lt3A_816 = vector.broadcast %get3A_815 : i32 to vector<104x128xi32>
    %lt3A_817 = arith.cmpi slt, %iota3A, %lt3A_816 : vector<104x128xi32>
    %convert_element_type3A_818 = arith.extui %lt3A_817 : vector<104x128xi1> to vector<104x128xi32>
    %convert_element_type3A_819 = arith.sitofp %convert_element_type3A_818 : vector<104x128xi32> to vector<104x128xf32>
    %swap3A_820 = arith.constant 51 : index
    %swap3A_821 = arith.constant 0 : index
    %swap3A_822 = arith.constant 0 : index
    %swap3A_823 = vector.load %arg2[%swap3A_820, %swap3A_821, %swap3A_822] : memref<128x104x128xf32, #tpu.memory_space<vmem>>, vector<1x104x128xf32>
    %swap3A_824 = vector.shape_cast %swap3A_823 : vector<1x104x128xf32> to vector<104x128xf32>
    %swap3A_825 = vector.shape_cast %convert_element_type3A_819 : vector<104x128xf32> to vector<1x104x128xf32>
    tpu.vector_store %arg2[%swap3A_820, %swap3A_821, %swap3A_822], %swap3A_825 {strides = array<i32>} : memref<128x104x128xf32, #tpu.memory_space<vmem>>, vector<1x104x128xf32>,
    %mul3A_826 = arith.constant 128 : i32
    %mul3A_827 = arith.muli %arg0, %mul3A_826 : i32
    %add3A_828 = arith.constant 52 : i32
    %add3A_829 = arith.addi %mul3A_827, %add3A_828 : i32
    %get3A_830 = arith.index_cast %add3A_829 : i32 to index
    %get3A_831 = memref.load %arg1[%get3A_830] : memref<8192xi32, #tpu.memory_space<smem>>
    %lt3A_832 = vector.broadcast %get3A_831 : i32 to vector<104x128xi32>
    %lt3A_833 = arith.cmpi slt, %iota3A, %lt3A_832 : vector<104x128xi32>
    %convert_element_type3A_834 = arith.extui %lt3A_833 : vector<104x128xi1> to vector<104x128xi32>
    %convert_element_type3A_835 = arith.sitofp %convert_element_type3A_834 : vector<104x128xi32> to vector<104x128xf32>
    %swap3A_836 = arith.constant 52 : index
    %swap3A_837 = arith.constant 0 : index
    %swap3A_838 = arith.constant 0 : index
    %swap3A_839 = vector.load %arg2[%swap3A_836, %swap3A_837, %swap3A_838] : memref<128x104x128xf32, #tpu.memory_space<vmem>>, vector<1x104x128xf32>
    %swap3A_840 = vector.shape_cast %swap3A_839 : vector<1x104x128xf32> to vector<104x128xf32>
    %swap3A_841 = vector.shape_cast %convert_element_type3A_835 : vector<104x128xf32> to vector<1x104x128xf32>
    tpu.vector_store %arg2[%swap3A_836, %swap3A_837, %swap3A_838], %swap3A_841 {strides = array<i32>} : memref<128x104x128xf32, #tpu.memory_space<vmem>>, vector<1x104x128xf32>,
    %mul3A_842 = arith.constant 128 : i32
    %mul3A_843 = arith.muli %arg0, %mul3A_842 : i32
    %add3A_844 = arith.constant 53 : i32
    %add3A_845 = arith.addi %mul3A_843, %add3A_844 : i32
    %get3A_846 = arith.index_cast %add3A_845 : i32 to index
    %get3A_847 = memref.load %arg1[%get3A_846] : memref<8192xi32, #tpu.memory_space<smem>>
    %lt3A_848 = vector.broadcast %get3A_847 : i32 to vector<104x128xi32>
    %lt3A_849 = arith.cmpi slt, %iota3A, %lt3A_848 : vector<104x128xi32>
    %convert_element_type3A_850 = arith.extui %lt3A_849 : vector<104x128xi1> to vector<104x128xi32>
    %convert_element_type3A_851 = arith.sitofp %convert_element_type3A_850 : vector<104x128xi32> to vector<104x128xf32>
    %swap3A_852 = arith.constant 53 : index
    %swap3A_853 = arith.constant 0 : index
    %swap3A_854 = arith.constant 0 : index
    %swap3A_855 = vector.load %arg2[%swap3A_852, %swap3A_853, %swap3A_854] : memref<128x104x128xf32, #tpu.memory_space<vmem>>, vector<1x104x128xf32>
    %swap3A_856 = vector.shape_cast %swap3A_855 : vector<1x104x128xf32> to vector<104x128xf32>
    %swap3A_857 = vector.shape_cast %convert_element_type3A_851 : vector<104x128xf32> to vector<1x104x128xf32>
    tpu.vector_store %arg2[%swap3A_852, %swap3A_853, %swap3A_854], %swap3A_857 {strides = array<i32>} : memref<128x104x128xf32, #tpu.memory_space<vmem>>, vector<1x104x128xf32>,
    %mul3A_858 = arith.constant 128 : i32
    %mul3A_859 = arith.muli %arg0, %mul3A_858 : i32
    %add3A_860 = arith.constant 54 : i32
    %add3A_861 = arith.addi %mul3A_859, %add3A_860 : i32
    %get3A_862 = arith.index_cast %add3A_861 : i32 to index
    %get3A_863 = memref.load %arg1[%get3A_862] : memref<8192xi32, #tpu.memory_space<smem>>
    %lt3A_864 = vector.broadcast %get3A_863 : i32 to vector<104x128xi32>
    %lt3A_865 = arith.cmpi slt, %iota3A, %lt3A_864 : vector<104x128xi32>
    %convert_element_type3A_866 = arith.extui %lt3A_865 : vector<104x128xi1> to vector<104x128xi32>
    %convert_element_type3A_867 = arith.sitofp %convert_element_type3A_866 : vector<104x128xi32> to vector<104x128xf32>
    %swap3A_868 = arith.constant 54 : index
    %swap3A_869 = arith.constant 0 : index
    %swap3A_870 = arith.constant 0 : index
    %swap3A_871 = vector.load %arg2[%swap3A_868, %swap3A_869, %swap3A_870] : memref<128x104x128xf32, #tpu.memory_space<vmem>>, vector<1x104x128xf32>
    %swap3A_872 = vector.shape_cast %swap3A_871 : vector<1x104x128xf32> to vector<104x128xf32>
    %swap3A_873 = vector.shape_cast %convert_element_type3A_867 : vector<104x128xf32> to vector<1x104x128xf32>
    tpu.vector_store %arg2[%swap3A_868, %swap3A_869, %swap3A_870], %swap3A_873 {strides = array<i32>} : memref<128x104x128xf32, #tpu.memory_space<vmem>>, vector<1x104x128xf32>,
    %mul3A_874 = arith.constant 128 : i32
    %mul3A_875 = arith.muli %arg0, %mul3A_874 : i32
    %add3A_876 = arith.constant 55 : i32
    %add3A_877 = arith.addi %mul3A_875, %add3A_876 : i32
    %get3A_878 = arith.index_cast %add3A_877 : i32 to index
    %get3A_879 = memref.load %arg1[%get3A_878] : memref<8192xi32, #tpu.memory_space<smem>>
    %lt3A_880 = vector.broadcast %get3A_879 : i32 to vector<104x128xi32>
    %lt3A_881 = arith.cmpi slt, %iota3A, %lt3A_880 : vector<104x128xi32>
    %convert_element_type3A_882 = arith.extui %lt3A_881 : vector<104x128xi1> to vector<104x128xi32>
    %convert_element_type3A_883 = arith.sitofp %convert_element_type3A_882 : vector<104x128xi32> to vector<104x128xf32>
    %swap3A_884 = arith.constant 55 : index
    %swap3A_885 = arith.constant 0 : index
    %swap3A_886 = arith.constant 0 : index
    %swap3A_887 = vector.load %arg2[%swap3A_884, %swap3A_885, %swap3A_886] : memref<128x104x128xf32, #tpu.memory_space<vmem>>, vector<1x104x128xf32>
    %swap3A_888 = vector.shape_cast %swap3A_887 : vector<1x104x128xf32> to vector<104x128xf32>
    %swap3A_889 = vector.shape_cast %convert_element_type3A_883 : vector<104x128xf32> to vector<1x104x128xf32>
    tpu.vector_store %arg2[%swap3A_884, %swap3A_885, %swap3A_886], %swap3A_889 {strides = array<i32>} : memref<128x104x128xf32, #tpu.memory_space<vmem>>, vector<1x104x128xf32>,
    %mul3A_890 = arith.constant 128 : i32
    %mul3A_891 = arith.muli %arg0, %mul3A_890 : i32
    %add3A_892 = arith.constant 56 : i32
    %add3A_893 = arith.addi %mul3A_891, %add3A_892 : i32
    %get3A_894 = arith.index_cast %add3A_893 : i32 to index
    %get3A_895 = memref.load %arg1[%get3A_894] : memref<8192xi32, #tpu.memory_space<smem>>
    %lt3A_896 = vector.broadcast %get3A_895 : i32 to vector<104x128xi32>
    %lt3A_897 = arith.cmpi slt, %iota3A, %lt3A_896 : vector<104x128xi32>
    %convert_element_type3A_898 = arith.extui %lt3A_897 : vector<104x128xi1> to vector<104x128xi32>
    %convert_element_type3A_899 = arith.sitofp %convert_element_type3A_898 : vector<104x128xi32> to vector<104x128xf32>
    %swap3A_900 = arith.constant 56 : index
    %swap3A_901 = arith.constant 0 : index
    %swap3A_902 = arith.constant 0 : index
    %swap3A_903 = vector.load %arg2[%swap3A_900, %swap3A_901, %swap3A_902] : memref<128x104x128xf32, #tpu.memory_space<vmem>>, vector<1x104x128xf32>
    %swap3A_904 = vector.shape_cast %swap3A_903 : vector<1x104x128xf32> to vector<104x128xf32>
    %swap3A_905 = vector.shape_cast %convert_element_type3A_899 : vector<104x128xf32> to vector<1x104x128xf32>
    tpu.vector_store %arg2[%swap3A_900, %swap3A_901, %swap3A_902], %swap3A_905 {strides = array<i32>} : memref<128x104x128xf32, #tpu.memory_space<vmem>>, vector<1x104x128xf32>,
    %mul3A_906 = arith.constant 128 : i32
    %mul3A_907 = arith.muli %arg0, %mul3A_906 : i32
    %add3A_908 = arith.constant 57 : i32
    %add3A_909 = arith.addi %mul3A_907, %add3A_908 : i32
    %get3A_910 = arith.index_cast %add3A_909 : i32 to index
    %get3A_911 = memref.load %arg1[%get3A_910] : memref<8192xi32, #tpu.memory_space<smem>>
    %lt3A_912 = vector.broadcast %get3A_911 : i32 to vector<104x128xi32>
    %lt3A_913 = arith.cmpi slt, %iota3A, %lt3A_912 : vector<104x128xi32>
    %convert_element_type3A_914 = arith.extui %lt3A_913 : vector<104x128xi1> to vector<104x128xi32>
    %convert_element_type3A_915 = arith.sitofp %convert_element_type3A_914 : vector<104x128xi32> to vector<104x128xf32>
    %swap3A_916 = arith.constant 57 : index
    %swap3A_917 = arith.constant 0 : index
    %swap3A_918 = arith.constant 0 : index
    %swap3A_919 = vector.load %arg2[%swap3A_916, %swap3A_917, %swap3A_918] : memref<128x104x128xf32, #tpu.memory_space<vmem>>, vector<1x104x128xf32>
    %swap3A_920 = vector.shape_cast %swap3A_919 : vector<1x104x128xf32> to vector<104x128xf32>
    %swap3A_921 = vector.shape_cast %convert_element_type3A_915 : vector<104x128xf32> to vector<1x104x128xf32>
    tpu.vector_store %arg2[%swap3A_916, %swap3A_917, %swap3A_918], %swap3A_921 {strides = array<i32>} : memref<128x104x128xf32, #tpu.memory_space<vmem>>, vector<1x104x128xf32>,
    %mul3A_922 = arith.constant 128 : i32
    %mul3A_923 = arith.muli %arg0, %mul3A_922 : i32
    %add3A_924 = arith.constant 58 : i32
    %add3A_925 = arith.addi %mul3A_923, %add3A_924 : i32
    %get3A_926 = arith.index_cast %add3A_925 : i32 to index
    %get3A_927 = memref.load %arg1[%get3A_926] : memref<8192xi32, #tpu.memory_space<smem>>
    %lt3A_928 = vector.broadcast %get3A_927 : i32 to vector<104x128xi32>
    %lt3A_929 = arith.cmpi slt, %iota3A, %lt3A_928 : vector<104x128xi32>
    %convert_element_type3A_930 = arith.extui %lt3A_929 : vector<104x128xi1> to vector<104x128xi32>
    %convert_element_type3A_931 = arith.sitofp %convert_element_type3A_930 : vector<104x128xi32> to vector<104x128xf32>
    %swap3A_932 = arith.constant 58 : index
    %swap3A_933 = arith.constant 0 : index
    %swap3A_934 = arith.constant 0 : index
    %swap3A_935 = vector.load %arg2[%swap3A_932, %swap3A_933, %swap3A_934] : memref<128x104x128xf32, #tpu.memory_space<vmem>>, vector<1x104x128xf32>
    %swap3A_936 = vector.shape_cast %swap3A_935 : vector<1x104x128xf32> to vector<104x128xf32>
    %swap3A_937 = vector.shape_cast %convert_element_type3A_931 : vector<104x128xf32> to vector<1x104x128xf32>
    tpu.vector_store %arg2[%swap3A_932, %swap3A_933, %swap3A_934], %swap3A_937 {strides = array<i32>} : memref<128x104x128xf32, #tpu.memory_space<vmem>>, vector<1x104x128xf32>,
    %mul3A_938 = arith.constant 128 : i32
    %mul3A_939 = arith.muli %arg0, %mul3A_938 : i32
    %add3A_940 = arith.constant 59 : i32
    %add3A_941 = arith.addi %mul3A_939, %add3A_940 : i32
    %get3A_942 = arith.index_cast %add3A_941 : i32 to index
    %get3A_943 = memref.load %arg1[%get3A_942] : memref<8192xi32, #tpu.memory_space<smem>>
    %lt3A_944 = vector.broadcast %get3A_943 : i32 to vector<104x128xi32>
    %lt3A_945 = arith.cmpi slt, %iota3A, %lt3A_944 : vector<104x128xi32>
    %convert_element_type3A_946 = arith.extui %lt3A_945 : vector<104x128xi1> to vector<104x128xi32>
    %convert_element_type3A_947 = arith.sitofp %convert_element_type3A_946 : vector<104x128xi32> to vector<104x128xf32>
    %swap3A_948 = arith.constant 59 : index
    %swap3A_949 = arith.constant 0 : index
    %swap3A_950 = arith.constant 0 : index
    %swap3A_951 = vector.load %arg2[%swap3A_948, %swap3A_949, %swap3A_950] : memref<128x104x128xf32, #tpu.memory_space<vmem>>, vector<1x104x128xf32>
    %swap3A_952 = vector.shape_cast %swap3A_951 : vector<1x104x128xf32> to vector<104x128xf32>
    %swap3A_953 = vector.shape_cast %convert_element_type3A_947 : vector<104x128xf32> to vector<1x104x128xf32>
    tpu.vector_store %arg2[%swap3A_948, %swap3A_949, %swap3A_950], %swap3A_953 {strides = array<i32>} : memref<128x104x128xf32, #tpu.memory_space<vmem>>, vector<1x104x128xf32>,
    %mul3A_954 = arith.constant 128 : i32
    %mul3A_955 = arith.muli %arg0, %mul3A_954 : i32
    %add3A_956 = arith.constant 60 : i32
    %add3A_957 = arith.addi %mul3A_955, %add3A_956 : i32
    %get3A_958 = arith.index_cast %add3A_957 : i32 to index
    %get3A_959 = memref.load %arg1[%get3A_958] : memref<8192xi32, #tpu.memory_space<smem>>
    %lt3A_960 = vector.broadcast %get3A_959 : i32 to vector<104x128xi32>
    %lt3A_961 = arith.cmpi slt, %iota3A, %lt3A_960 : vector<104x128xi32>
    %convert_element_type3A_962 = arith.extui %lt3A_961 : vector<104x128xi1> to vector<104x128xi32>
    %convert_element_type3A_963 = arith.sitofp %convert_element_type3A_962 : vector<104x128xi32> to vector<104x128xf32>
    %swap3A_964 = arith.constant 60 : index
    %swap3A_965 = arith.constant 0 : index
    %swap3A_966 = arith.constant 0 : index
    %swap3A_967 = vector.load %arg2[%swap3A_964, %swap3A_965, %swap3A_966] : memref<128x104x128xf32, #tpu.memory_space<vmem>>, vector<1x104x128xf32>
    %swap3A_968 = vector.shape_cast %swap3A_967 : vector<1x104x128xf32> to vector<104x128xf32>
    %swap3A_969 = vector.shape_cast %convert_element_type3A_963 : vector<104x128xf32> to vector<1x104x128xf32>
    tpu.vector_store %arg2[%swap3A_964, %swap3A_965, %swap3A_966], %swap3A_969 {strides = array<i32>} : memref<128x104x128xf32, #tpu.memory_space<vmem>>, vector<1x104x128xf32>,
    %mul3A_970 = arith.constant 128 : i32
    %mul3A_971 = arith.muli %arg0, %mul3A_970 : i32
    %add3A_972 = arith.constant 61 : i32
    %add3A_973 = arith.addi %mul3A_971, %add3A_972 : i32
    %get3A_974 = arith.index_cast %add3A_973 : i32 to index
    %get3A_975 = memref.load %arg1[%get3A_974] : memref<8192xi32, #tpu.memory_space<smem>>
    %lt3A_976 = vector.broadcast %get3A_975 : i32 to vector<104x128xi32>
    %lt3A_977 = arith.cmpi slt, %iota3A, %lt3A_976 : vector<104x128xi32>
    %convert_element_type3A_978 = arith.extui %lt3A_977 : vector<104x128xi1> to vector<104x128xi32>
    %convert_element_type3A_979 = arith.sitofp %convert_element_type3A_978 : vector<104x128xi32> to vector<104x128xf32>
    %swap3A_980 = arith.constant 61 : index
    %swap3A_981 = arith.constant 0 : index
    %swap3A_982 = arith.constant 0 : index
    %swap3A_983 = vector.load %arg2[%swap3A_980, %swap3A_981, %swap3A_982] : memref<128x104x128xf32, #tpu.memory_space<vmem>>, vector<1x104x128xf32>
    %swap3A_984 = vector.shape_cast %swap3A_983 : vector<1x104x128xf32> to vector<104x128xf32>
    %swap3A_985 = vector.shape_cast %convert_element_type3A_979 : vector<104x128xf32> to vector<1x104x128xf32>
    tpu.vector_store %arg2[%swap3A_980, %swap3A_981, %swap3A_982], %swap3A_985 {strides = array<i32>} : memref<128x104x128xf32, #tpu.memory_space<vmem>>, vector<1x104x128xf32>,
    %mul3A_986 = arith.constant 128 : i32
    %mul3A_987 = arith.muli %arg0, %mul3A_986 : i32
    %add3A_988 = arith.constant 62 : i32
    %add3A_989 = arith.addi %mul3A_987, %add3A_988 : i32
    %get3A_990 = arith.index_cast %add3A_989 : i32 to index
    %get3A_991 = memref.load %arg1[%get3A_990] : memref<8192xi32, #tpu.memory_space<smem>>
    %lt3A_992 = vector.broadcast %get3A_991 : i32 to vector<104x128xi32>
    %lt3A_993 = arith.cmpi slt, %iota3A, %lt3A_992 : vector<104x128xi32>
    %convert_element_type3A_994 = arith.extui %lt3A_993 : vector<104x128xi1> to vector<104x128xi32>
    %convert_element_type3A_995 = arith.sitofp %convert_element_type3A_994 : vector<104x128xi32> to vector<104x128xf32>
    %swap3A_996 = arith.constant 62 : index
    %swap3A_997 = arith.constant 0 : index
    %swap3A_998 = arith.constant 0 : index
    %swap3A_999 = vector.load %arg2[%swap3A_996, %swap3A_997, %swap3A_998] : memref<128x104x128xf32, #tpu.memory_space<vmem>>, vector<1x104x128xf32>
    %swap3A_1000 = vector.shape_cast %swap3A_999 : vector<1x104x128xf32> to vector<104x128xf32>
    %swap3A_1001 = vector.shape_cast %convert_element_type3A_995 : vector<104x128xf32> to vector<1x104x128xf32>
    tpu.vector_store %arg2[%swap3A_996, %swap3A_997, %swap3A_998], %swap3A_1001 {strides = array<i32>} : memref<128x104x128xf32, #tpu.memory_space<vmem>>, vector<1x104x128xf32>,
    %mul3A_1002 = arith.constant 128 : i32
    %mul3A_1003 = arith.muli %arg0, %mul3A_1002 : i32
    %add3A_1004 = arith.constant 63 : i32
    %add3A_1005 = arith.addi %mul3A_1003, %add3A_1004 : i32
    %get3A_1006 = arith.index_cast %add3A_1005 : i32 to index
    %get3A_1007 = memref.load %arg1[%get3A_1006] : memref<8192xi32, #tpu.memory_space<smem>>
    %lt3A_1008 = vector.broadcast %get3A_1007 : i32 to vector<104x128xi32>
    %lt3A_1009 = arith.cmpi slt, %iota3A, %lt3A_1008 : vector<104x128xi32>
    %convert_element_type3A_1010 = arith.extui %lt3A_1009 : vector<104x128xi1> to vector<104x128xi32>
    %convert_element_type3A_1011 = arith.sitofp %convert_element_type3A_1010 : vector<104x128xi32> to vector<104x128xf32>
    %swap3A_1012 = arith.constant 63 : index
    %swap3A_1013 = arith.constant 0 : index
    %swap3A_1014 = arith.constant 0 : index
    %swap3A_1015 = vector.load %arg2[%swap3A_1012, %swap3A_1013, %swap3A_1014] : memref<128x104x128xf32, #tpu.memory_space<vmem>>, vector<1x104x128xf32>
    %swap3A_1016 = vector.shape_cast %swap3A_1015 : vector<1x104x128xf32> to vector<104x128xf32>
    %swap3A_1017 = vector.shape_cast %convert_element_type3A_1011 : vector<104x128xf32> to vector<1x104x128xf32>
    tpu.vector_store %arg2[%swap3A_1012, %swap3A_1013, %swap3A_1014], %swap3A_1017 {strides = array<i32>} : memref<128x104x128xf32, #tpu.memory_space<vmem>>, vector<1x104x128xf32>,
    %mul3A_1018 = arith.constant 128 : i32
    %mul3A_1019 = arith.muli %arg0, %mul3A_1018 : i32
    %add3A_1020 = arith.constant 64 : i32
    %add3A_1021 = arith.addi %mul3A_1019, %add3A_1020 : i32
    %get3A_1022 = arith.index_cast %add3A_1021 : i32 to index
    %get3A_1023 = memref.load %arg1[%get3A_1022] : memref<8192xi32, #tpu.memory_space<smem>>
    %lt3A_1024 = vector.broadcast %get3A_1023 : i32 to vector<104x128xi32>
    %lt3A_1025 = arith.cmpi slt, %iota3A, %lt3A_1024 : vector<104x128xi32>
    %convert_element_type3A_1026 = arith.extui %lt3A_1025 : vector<104x128xi1> to vector<104x128xi32>
    %convert_element_type3A_1027 = arith.sitofp %convert_element_type3A_1026 : vector<104x128xi32> to vector<104x128xf32>
    %swap3A_1028 = arith.constant 64 : index
    %swap3A_1029 = arith.constant 0 : index
    %swap3A_1030 = arith.constant 0 : index
    %swap3A_1031 = vector.load %arg2[%swap3A_1028, %swap3A_1029, %swap3A_1030] : memref<128x104x128xf32, #tpu.memory_space<vmem>>, vector<1x104x128xf32>
    %swap3A_1032 = vector.shape_cast %swap3A_1031 : vector<1x104x128xf32> to vector<104x128xf32>
    %swap3A_1033 = vector.shape_cast %convert_element_type3A_1027 : vector<104x128xf32> to vector<1x104x128xf32>
    tpu.vector_store %arg2[%swap3A_1028, %swap3A_1029, %swap3A_1030], %swap3A_1033 {strides = array<i32>} : memref<128x104x128xf32, #tpu.memory_space<vmem>>, vector<1x104x128xf32>,
    %mul3A_1034 = arith.constant 128 : i32
    %mul3A_1035 = arith.muli %arg0, %mul3A_1034 : i32
    %add3A_1036 = arith.constant 65 : i32
    %add3A_1037 = arith.addi %mul3A_1035, %add3A_1036 : i32
    %get3A_1038 = arith.index_cast %add3A_1037 : i32 to index
    %get3A_1039 = memref.load %arg1[%get3A_1038] : memref<8192xi32, #tpu.memory_space<smem>>
    %lt3A_1040 = vector.broadcast %get3A_1039 : i32 to vector<104x128xi32>
    %lt3A_1041 = arith.cmpi slt, %iota3A, %lt3A_1040 : vector<104x128xi32>
    %convert_element_type3A_1042 = arith.extui %lt3A_1041 : vector<104x128xi1> to vector<104x128xi32>
    %convert_element_type3A_1043 = arith.sitofp %convert_element_type3A_1042 : vector<104x128xi32> to vector<104x128xf32>
    %swap3A_1044 = arith.constant 65 : index
    %swap3A_1045 = arith.constant 0 : index
    %swap3A_1046 = arith.constant 0 : index
    %swap3A_1047 = vector.load %arg2[%swap3A_1044, %swap3A_1045, %swap3A_1046] : memref<128x104x128xf32, #tpu.memory_space<vmem>>, vector<1x104x128xf32>
    %swap3A_1048 = vector.shape_cast %swap3A_1047 : vector<1x104x128xf32> to vector<104x128xf32>
    %swap3A_1049 = vector.shape_cast %convert_element_type3A_1043 : vector<104x128xf32> to vector<1x104x128xf32>
    tpu.vector_store %arg2[%swap3A_1044, %swap3A_1045, %swap3A_1046], %swap3A_1049 {strides = array<i32>} : memref<128x104x128xf32, #tpu.memory_space<vmem>>, vector<1x104x128xf32>,
    %mul3A_1050 = arith.constant 128 : i32
    %mul3A_1051 = arith.muli %arg0, %mul3A_1050 : i32
    %add3A_1052 = arith.constant 66 : i32
    %add3A_1053 = arith.addi %mul3A_1051, %add3A_1052 : i32
    %get3A_1054 = arith.index_cast %add3A_1053 : i32 to index
    %get3A_1055 = memref.load %arg1[%get3A_1054] : memref<8192xi32, #tpu.memory_space<smem>>
    %lt3A_1056 = vector.broadcast %get3A_1055 : i32 to vector<104x128xi32>
    %lt3A_1057 = arith.cmpi slt, %iota3A, %lt3A_1056 : vector<104x128xi32>
    %convert_element_type3A_1058 = arith.extui %lt3A_1057 : vector<104x128xi1> to vector<104x128xi32>
    %convert_element_type3A_1059 = arith.sitofp %convert_element_type3A_1058 : vector<104x128xi32> to vector<104x128xf32>
    %swap3A_1060 = arith.constant 66 : index
    %swap3A_1061 = arith.constant 0 : index
    %swap3A_1062 = arith.constant 0 : index
    %swap3A_1063 = vector.load %arg2[%swap3A_1060, %swap3A_1061, %swap3A_1062] : memref<128x104x128xf32, #tpu.memory_space<vmem>>, vector<1x104x128xf32>
    %swap3A_1064 = vector.shape_cast %swap3A_1063 : vector<1x104x128xf32> to vector<104x128xf32>
    %swap3A_1065 = vector.shape_cast %convert_element_type3A_1059 : vector<104x128xf32> to vector<1x104x128xf32>
    tpu.vector_store %arg2[%swap3A_1060, %swap3A_1061, %swap3A_1062], %swap3A_1065 {strides = array<i32>} : memref<128x104x128xf32, #tpu.memory_space<vmem>>, vector<1x104x128xf32>,
    %mul3A_1066 = arith.constant 128 : i32
    %mul3A_1067 = arith.muli %arg0, %mul3A_1066 : i32
    %add3A_1068 = arith.constant 67 : i32
    %add3A_1069 = arith.addi %mul3A_1067, %add3A_1068 : i32
    %get3A_1070 = arith.index_cast %add3A_1069 : i32 to index
    %get3A_1071 = memref.load %arg1[%get3A_1070] : memref<8192xi32, #tpu.memory_space<smem>>
    %lt3A_1072 = vector.broadcast %get3A_1071 : i32 to vector<104x128xi32>
    %lt3A_1073 = arith.cmpi slt, %iota3A, %lt3A_1072 : vector<104x128xi32>
    %convert_element_type3A_1074 = arith.extui %lt3A_1073 : vector<104x128xi1> to vector<104x128xi32>
    %convert_element_type3A_1075 = arith.sitofp %convert_element_type3A_1074 : vector<104x128xi32> to vector<104x128xf32>
    %swap3A_1076 = arith.constant 67 : index
    %swap3A_1077 = arith.constant 0 : index
    %swap3A_1078 = arith.constant 0 : index
    %swap3A_1079 = vector.load %arg2[%swap3A_1076, %swap3A_1077, %swap3A_1078] : memref<128x104x128xf32, #tpu.memory_space<vmem>>, vector<1x104x128xf32>
    %swap3A_1080 = vector.shape_cast %swap3A_1079 : vector<1x104x128xf32> to vector<104x128xf32>
    %swap3A_1081 = vector.shape_cast %convert_element_type3A_1075 : vector<104x128xf32> to vector<1x104x128xf32>
    tpu.vector_store %arg2[%swap3A_1076, %swap3A_1077, %swap3A_1078], %swap3A_1081 {strides = array<i32>} : memref<128x104x128xf32, #tpu.memory_space<vmem>>, vector<1x104x128xf32>,
    %mul3A_1082 = arith.constant 128 : i32
    %mul3A_1083 = arith.muli %arg0, %mul3A_1082 : i32
    %add3A_1084 = arith.constant 68 : i32
    %add3A_1085 = arith.addi %mul3A_1083, %add3A_1084 : i32
    %get3A_1086 = arith.index_cast %add3A_1085 : i32 to index
    %get3A_1087 = memref.load %arg1[%get3A_1086] : memref<8192xi32, #tpu.memory_space<smem>>
    %lt3A_1088 = vector.broadcast %get3A_1087 : i32 to vector<104x128xi32>
    %lt3A_1089 = arith.cmpi slt, %iota3A, %lt3A_1088 : vector<104x128xi32>
    %convert_element_type3A_1090 = arith.extui %lt3A_1089 : vector<104x128xi1> to vector<104x128xi32>
    %convert_element_type3A_1091 = arith.sitofp %convert_element_type3A_1090 : vector<104x128xi32> to vector<104x128xf32>
    %swap3A_1092 = arith.constant 68 : index
    %swap3A_1093 = arith.constant 0 : index
    %swap3A_1094 = arith.constant 0 : index
    %swap3A_1095 = vector.load %arg2[%swap3A_1092, %swap3A_1093, %swap3A_1094] : memref<128x104x128xf32, #tpu.memory_space<vmem>>, vector<1x104x128xf32>
    %swap3A_1096 = vector.shape_cast %swap3A_1095 : vector<1x104x128xf32> to vector<104x128xf32>
    %swap3A_1097 = vector.shape_cast %convert_element_type3A_1091 : vector<104x128xf32> to vector<1x104x128xf32>
    tpu.vector_store %arg2[%swap3A_1092, %swap3A_1093, %swap3A_1094], %swap3A_1097 {strides = array<i32>} : memref<128x104x128xf32, #tpu.memory_space<vmem>>, vector<1x104x128xf32>,
    %mul3A_1098 = arith.constant 128 : i32
    %mul3A_1099 = arith.muli %arg0, %mul3A_1098 : i32
    %add3A_1100 = arith.constant 69 : i32
    %add3A_1101 = arith.addi %mul3A_1099, %add3A_1100 : i32
    %get3A_1102 = arith.index_cast %add3A_1101 : i32 to index
    %get3A_1103 = memref.load %arg1[%get3A_1102] : memref<8192xi32, #tpu.memory_space<smem>>
    %lt3A_1104 = vector.broadcast %get3A_1103 : i32 to vector<104x128xi32>
    %lt3A_1105 = arith.cmpi slt, %iota3A, %lt3A_1104 : vector<104x128xi32>
    %convert_element_type3A_1106 = arith.extui %lt3A_1105 : vector<104x128xi1> to vector<104x128xi32>
    %convert_element_type3A_1107 = arith.sitofp %convert_element_type3A_1106 : vector<104x128xi32> to vector<104x128xf32>
    %swap3A_1108 = arith.constant 69 : index
    %swap3A_1109 = arith.constant 0 : index
    %swap3A_1110 = arith.constant 0 : index
    %swap3A_1111 = vector.load %arg2[%swap3A_1108, %swap3A_1109, %swap3A_1110] : memref<128x104x128xf32, #tpu.memory_space<vmem>>, vector<1x104x128xf32>
    %swap3A_1112 = vector.shape_cast %swap3A_1111 : vector<1x104x128xf32> to vector<104x128xf32>
    %swap3A_1113 = vector.shape_cast %convert_element_type3A_1107 : vector<104x128xf32> to vector<1x104x128xf32>
    tpu.vector_store %arg2[%swap3A_1108, %swap3A_1109, %swap3A_1110], %swap3A_1113 {strides = array<i32>} : memref<128x104x128xf32, #tpu.memory_space<vmem>>, vector<1x104x128xf32>,
    %mul3A_1114 = arith.constant 128 : i32
    %mul3A_1115 = arith.muli %arg0, %mul3A_1114 : i32
    %add3A_1116 = arith.constant 70 : i32
    %add3A_1117 = arith.addi %mul3A_1115, %add3A_1116 : i32
    %get3A_1118 = arith.index_cast %add3A_1117 : i32 to index
    %get3A_1119 = memref.load %arg1[%get3A_1118] : memref<8192xi32, #tpu.memory_space<smem>>
    %lt3A_1120 = vector.broadcast %get3A_1119 : i32 to vector<104x128xi32>
    %lt3A_1121 = arith.cmpi slt, %iota3A, %lt3A_1120 : vector<104x128xi32>
    %convert_element_type3A_1122 = arith.extui %lt3A_1121 : vector<104x128xi1> to vector<104x128xi32>
    %convert_element_type3A_1123 = arith.sitofp %convert_element_type3A_1122 : vector<104x128xi32> to vector<104x128xf32>
    %swap3A_1124 = arith.constant 70 : index
    %swap3A_1125 = arith.constant 0 : index
    %swap3A_1126 = arith.constant 0 : index
    %swap3A_1127 = vector.load %arg2[%swap3A_1124, %swap3A_1125, %swap3A_1126] : memref<128x104x128xf32, #tpu.memory_space<vmem>>, vector<1x104x128xf32>
    %swap3A_1128 = vector.shape_cast %swap3A_1127 : vector<1x104x128xf32> to vector<104x128xf32>
    %swap3A_1129 = vector.shape_cast %convert_element_type3A_1123 : vector<104x128xf32> to vector<1x104x128xf32>
    tpu.vector_store %arg2[%swap3A_1124, %swap3A_1125, %swap3A_1126], %swap3A_1129 {strides = array<i32>} : memref<128x104x128xf32, #tpu.memory_space<vmem>>, vector<1x104x128xf32>,
    %mul3A_1130 = arith.constant 128 : i32
    %mul3A_1131 = arith.muli %arg0, %mul3A_1130 : i32
    %add3A_1132 = arith.constant 71 : i32
    %add3A_1133 = arith.addi %mul3A_1131, %add3A_1132 : i32
    %get3A_1134 = arith.index_cast %add3A_1133 : i32 to index
    %get3A_1135 = memref.load %arg1[%get3A_1134] : memref<8192xi32, #tpu.memory_space<smem>>
    %lt3A_1136 = vector.broadcast %get3A_1135 : i32 to vector<104x128xi32>
    %lt3A_1137 = arith.cmpi slt, %iota3A, %lt3A_1136 : vector<104x128xi32>
    %convert_element_type3A_1138 = arith.extui %lt3A_1137 : vector<104x128xi1> to vector<104x128xi32>
    %convert_element_type3A_1139 = arith.sitofp %convert_element_type3A_1138 : vector<104x128xi32> to vector<104x128xf32>
    %swap3A_1140 = arith.constant 71 : index
    %swap3A_1141 = arith.constant 0 : index
    %swap3A_1142 = arith.constant 0 : index
    %swap3A_1143 = vector.load %arg2[%swap3A_1140, %swap3A_1141, %swap3A_1142] : memref<128x104x128xf32, #tpu.memory_space<vmem>>, vector<1x104x128xf32>
    %swap3A_1144 = vector.shape_cast %swap3A_1143 : vector<1x104x128xf32> to vector<104x128xf32>
    %swap3A_1145 = vector.shape_cast %convert_element_type3A_1139 : vector<104x128xf32> to vector<1x104x128xf32>
    tpu.vector_store %arg2[%swap3A_1140, %swap3A_1141, %swap3A_1142], %swap3A_1145 {strides = array<i32>} : memref<128x104x128xf32, #tpu.memory_space<vmem>>, vector<1x104x128xf32>,
    %mul3A_1146 = arith.constant 128 : i32
    %mul3A_1147 = arith.muli %arg0, %mul3A_1146 : i32
    %add3A_1148 = arith.constant 72 : i32
    %add3A_1149 = arith.addi %mul3A_1147, %add3A_1148 : i32
    %get3A_1150 = arith.index_cast %add3A_1149 : i32 to index
    %get3A_1151 = memref.load %arg1[%get3A_1150] : memref<8192xi32, #tpu.memory_space<smem>>
    %lt3A_1152 = vector.broadcast %get3A_1151 : i32 to vector<104x128xi32>
    %lt3A_1153 = arith.cmpi slt, %iota3A, %lt3A_1152 : vector<104x128xi32>
    %convert_element_type3A_1154 = arith.extui %lt3A_1153 : vector<104x128xi1> to vector<104x128xi32>
    %convert_element_type3A_1155 = arith.sitofp %convert_element_type3A_1154 : vector<104x128xi32> to vector<104x128xf32>
    %swap3A_1156 = arith.constant 72 : index
    %swap3A_1157 = arith.constant 0 : index
    %swap3A_1158 = arith.constant 0 : index
    %swap3A_1159 = vector.load %arg2[%swap3A_1156, %swap3A_1157, %swap3A_1158] : memref<128x104x128xf32, #tpu.memory_space<vmem>>, vector<1x104x128xf32>
    %swap3A_1160 = vector.shape_cast %swap3A_1159 : vector<1x104x128xf32> to vector<104x128xf32>
    %swap3A_1161 = vector.shape_cast %convert_element_type3A_1155 : vector<104x128xf32> to vector<1x104x128xf32>
    tpu.vector_store %arg2[%swap3A_1156, %swap3A_1157, %swap3A_1158], %swap3A_1161 {strides = array<i32>} : memref<128x104x128xf32, #tpu.memory_space<vmem>>, vector<1x104x128xf32>,
    %mul3A_1162 = arith.constant 128 : i32
    %mul3A_1163 = arith.muli %arg0, %mul3A_1162 : i32
    %add3A_1164 = arith.constant 73 : i32
    %add3A_1165 = arith.addi %mul3A_1163, %add3A_1164 : i32
    %get3A_1166 = arith.index_cast %add3A_1165 : i32 to index
    %get3A_1167 = memref.load %arg1[%get3A_1166] : memref<8192xi32, #tpu.memory_space<smem>>
    %lt3A_1168 = vector.broadcast %get3A_1167 : i32 to vector<104x128xi32>
    %lt3A_1169 = arith.cmpi slt, %iota3A, %lt3A_1168 : vector<104x128xi32>
    %convert_element_type3A_1170 = arith.extui %lt3A_1169 : vector<104x128xi1> to vector<104x128xi32>
    %convert_element_type3A_1171 = arith.sitofp %convert_element_type3A_1170 : vector<104x128xi32> to vector<104x128xf32>
    %swap3A_1172 = arith.constant 73 : index
    %swap3A_1173 = arith.constant 0 : index
    %swap3A_1174 = arith.constant 0 : index
    %swap3A_1175 = vector.load %arg2[%swap3A_1172, %swap3A_1173, %swap3A_1174] : memref<128x104x128xf32, #tpu.memory_space<vmem>>, vector<1x104x128xf32>
    %swap3A_1176 = vector.shape_cast %swap3A_1175 : vector<1x104x128xf32> to vector<104x128xf32>
    %swap3A_1177 = vector.shape_cast %convert_element_type3A_1171 : vector<104x128xf32> to vector<1x104x128xf32>
    tpu.vector_store %arg2[%swap3A_1172, %swap3A_1173, %swap3A_1174], %swap3A_1177 {strides = array<i32>} : memref<128x104x128xf32, #tpu.memory_space<vmem>>, vector<1x104x128xf32>,
    %mul3A_1178 = arith.constant 128 : i32
    %mul3A_1179 = arith.muli %arg0, %mul3A_1178 : i32
    %add3A_1180 = arith.constant 74 : i32
    %add3A_1181 = arith.addi %mul3A_1179, %add3A_1180 : i32
    %get3A_1182 = arith.index_cast %add3A_1181 : i32 to index
    %get3A_1183 = memref.load %arg1[%get3A_1182] : memref<8192xi32, #tpu.memory_space<smem>>
    %lt3A_1184 = vector.broadcast %get3A_1183 : i32 to vector<104x128xi32>
    %lt3A_1185 = arith.cmpi slt, %iota3A, %lt3A_1184 : vector<104x128xi32>
    %convert_element_type3A_1186 = arith.extui %lt3A_1185 : vector<104x128xi1> to vector<104x128xi32>
    %convert_element_type3A_1187 = arith.sitofp %convert_element_type3A_1186 : vector<104x128xi32> to vector<104x128xf32>
    %swap3A_1188 = arith.constant 74 : index
    %swap3A_1189 = arith.constant 0 : index
    %swap3A_1190 = arith.constant 0 : index
    %swap3A_1191 = vector.load %arg2[%swap3A_1188, %swap3A_1189, %swap3A_1190] : memref<128x104x128xf32, #tpu.memory_space<vmem>>, vector<1x104x128xf32>
    %swap3A_1192 = vector.shape_cast %swap3A_1191 : vector<1x104x128xf32> to vector<104x128xf32>
    %swap3A_1193 = vector.shape_cast %convert_element_type3A_1187 : vector<104x128xf32> to vector<1x104x128xf32>
    tpu.vector_store %arg2[%swap3A_1188, %swap3A_1189, %swap3A_1190], %swap3A_1193 {strides = array<i32>} : memref<128x104x128xf32, #tpu.memory_space<vmem>>, vector<1x104x128xf32>,
    %mul3A_1194 = arith.constant 128 : i32
    %mul3A_1195 = arith.muli %arg0, %mul3A_1194 : i32
    %add3A_1196 = arith.constant 75 : i32
    %add3A_1197 = arith.addi %mul3A_1195, %add3A_1196 : i32
    %get3A_1198 = arith.index_cast %add3A_1197 : i32 to index
    %get3A_1199 = memref.load %arg1[%get3A_1198] : memref<8192xi32, #tpu.memory_space<smem>>
    %lt3A_1200 = vector.broadcast %get3A_1199 : i32 to vector<104x128xi32>
    %lt3A_1201 = arith.cmpi slt, %iota3A, %lt3A_1200 : vector<104x128xi32>
    %convert_element_type3A_1202 = arith.extui %lt3A_1201 : vector<104x128xi1> to vector<104x128xi32>
    %convert_element_type3A_1203 = arith.sitofp %convert_element_type3A_1202 : vector<104x128xi32> to vector<104x128xf32>
    %swap3A_1204 = arith.constant 75 : index
    %swap3A_1205 = arith.constant 0 : index
    %swap3A_1206 = arith.constant 0 : index
    %swap3A_1207 = vector.load %arg2[%swap3A_1204, %swap3A_1205, %swap3A_1206] : memref<128x104x128xf32, #tpu.memory_space<vmem>>, vector<1x104x128xf32>
    %swap3A_1208 = vector.shape_cast %swap3A_1207 : vector<1x104x128xf32> to vector<104x128xf32>
    %swap3A_1209 = vector.shape_cast %convert_element_type3A_1203 : vector<104x128xf32> to vector<1x104x128xf32>
    tpu.vector_store %arg2[%swap3A_1204, %swap3A_1205, %swap3A_1206], %swap3A_1209 {strides = array<i32>} : memref<128x104x128xf32, #tpu.memory_space<vmem>>, vector<1x104x128xf32>,
    %mul3A_1210 = arith.constant 128 : i32
    %mul3A_1211 = arith.muli %arg0, %mul3A_1210 : i32
    %add3A_1212 = arith.constant 76 : i32
    %add3A_1213 = arith.addi %mul3A_1211, %add3A_1212 : i32
    %get3A_1214 = arith.index_cast %add3A_1213 : i32 to index
    %get3A_1215 = memref.load %arg1[%get3A_1214] : memref<8192xi32, #tpu.memory_space<smem>>
    %lt3A_1216 = vector.broadcast %get3A_1215 : i32 to vector<104x128xi32>
    %lt3A_1217 = arith.cmpi slt, %iota3A, %lt3A_1216 : vector<104x128xi32>
    %convert_element_type3A_1218 = arith.extui %lt3A_1217 : vector<104x128xi1> to vector<104x128xi32>
    %convert_element_type3A_1219 = arith.sitofp %convert_element_type3A_1218 : vector<104x128xi32> to vector<104x128xf32>
    %swap3A_1220 = arith.constant 76 : index
    %swap3A_1221 = arith.constant 0 : index
    %swap3A_1222 = arith.constant 0 : index
    %swap3A_1223 = vector.load %arg2[%swap3A_1220, %swap3A_1221, %swap3A_1222] : memref<128x104x128xf32, #tpu.memory_space<vmem>>, vector<1x104x128xf32>
    %swap3A_1224 = vector.shape_cast %swap3A_1223 : vector<1x104x128xf32> to vector<104x128xf32>
    %swap3A_1225 = vector.shape_cast %convert_element_type3A_1219 : vector<104x128xf32> to vector<1x104x128xf32>
    tpu.vector_store %arg2[%swap3A_1220, %swap3A_1221, %swap3A_1222], %swap3A_1225 {strides = array<i32>} : memref<128x104x128xf32, #tpu.memory_space<vmem>>, vector<1x104x128xf32>,
    %mul3A_1226 = arith.constant 128 : i32
    %mul3A_1227 = arith.muli %arg0, %mul3A_1226 : i32
    %add3A_1228 = arith.constant 77 : i32
    %add3A_1229 = arith.addi %mul3A_1227, %add3A_1228 : i32
    %get3A_1230 = arith.index_cast %add3A_1229 : i32 to index
    %get3A_1231 = memref.load %arg1[%get3A_1230] : memref<8192xi32, #tpu.memory_space<smem>>
    %lt3A_1232 = vector.broadcast %get3A_1231 : i32 to vector<104x128xi32>
    %lt3A_1233 = arith.cmpi slt, %iota3A, %lt3A_1232 : vector<104x128xi32>
    %convert_element_type3A_1234 = arith.extui %lt3A_1233 : vector<104x128xi1> to vector<104x128xi32>
    %convert_element_type3A_1235 = arith.sitofp %convert_element_type3A_1234 : vector<104x128xi32> to vector<104x128xf32>
    %swap3A_1236 = arith.constant 77 : index
    %swap3A_1237 = arith.constant 0 : index
    %swap3A_1238 = arith.constant 0 : index
    %swap3A_1239 = vector.load %arg2[%swap3A_1236, %swap3A_1237, %swap3A_1238] : memref<128x104x128xf32, #tpu.memory_space<vmem>>, vector<1x104x128xf32>
    %swap3A_1240 = vector.shape_cast %swap3A_1239 : vector<1x104x128xf32> to vector<104x128xf32>
    %swap3A_1241 = vector.shape_cast %convert_element_type3A_1235 : vector<104x128xf32> to vector<1x104x128xf32>
    tpu.vector_store %arg2[%swap3A_1236, %swap3A_1237, %swap3A_1238], %swap3A_1241 {strides = array<i32>} : memref<128x104x128xf32, #tpu.memory_space<vmem>>, vector<1x104x128xf32>,
    %mul3A_1242 = arith.constant 128 : i32
    %mul3A_1243 = arith.muli %arg0, %mul3A_1242 : i32
    %add3A_1244 = arith.constant 78 : i32
    %add3A_1245 = arith.addi %mul3A_1243, %add3A_1244 : i32
    %get3A_1246 = arith.index_cast %add3A_1245 : i32 to index
    %get3A_1247 = memref.load %arg1[%get3A_1246] : memref<8192xi32, #tpu.memory_space<smem>>
    %lt3A_1248 = vector.broadcast %get3A_1247 : i32 to vector<104x128xi32>
    %lt3A_1249 = arith.cmpi slt, %iota3A, %lt3A_1248 : vector<104x128xi32>
    %convert_element_type3A_1250 = arith.extui %lt3A_1249 : vector<104x128xi1> to vector<104x128xi32>
    %convert_element_type3A_1251 = arith.sitofp %convert_element_type3A_1250 : vector<104x128xi32> to vector<104x128xf32>
    %swap3A_1252 = arith.constant 78 : index
    %swap3A_1253 = arith.constant 0 : index
    %swap3A_1254 = arith.constant 0 : index
    %swap3A_1255 = vector.load %arg2[%swap3A_1252, %swap3A_1253, %swap3A_1254] : memref<128x104x128xf32, #tpu.memory_space<vmem>>, vector<1x104x128xf32>
    %swap3A_1256 = vector.shape_cast %swap3A_1255 : vector<1x104x128xf32> to vector<104x128xf32>
    %swap3A_1257 = vector.shape_cast %convert_element_type3A_1251 : vector<104x128xf32> to vector<1x104x128xf32>
    tpu.vector_store %arg2[%swap3A_1252, %swap3A_1253, %swap3A_1254], %swap3A_1257 {strides = array<i32>} : memref<128x104x128xf32, #tpu.memory_space<vmem>>, vector<1x104x128xf32>,
    %mul3A_1258 = arith.constant 128 : i32
    %mul3A_1259 = arith.muli %arg0, %mul3A_1258 : i32
    %add3A_1260 = arith.constant 79 : i32
    %add3A_1261 = arith.addi %mul3A_1259, %add3A_1260 : i32
    %get3A_1262 = arith.index_cast %add3A_1261 : i32 to index
    %get3A_1263 = memref.load %arg1[%get3A_1262] : memref<8192xi32, #tpu.memory_space<smem>>
    %lt3A_1264 = vector.broadcast %get3A_1263 : i32 to vector<104x128xi32>
    %lt3A_1265 = arith.cmpi slt, %iota3A, %lt3A_1264 : vector<104x128xi32>
    %convert_element_type3A_1266 = arith.extui %lt3A_1265 : vector<104x128xi1> to vector<104x128xi32>
    %convert_element_type3A_1267 = arith.sitofp %convert_element_type3A_1266 : vector<104x128xi32> to vector<104x128xf32>
    %swap3A_1268 = arith.constant 79 : index
    %swap3A_1269 = arith.constant 0 : index
    %swap3A_1270 = arith.constant 0 : index
    %swap3A_1271 = vector.load %arg2[%swap3A_1268, %swap3A_1269, %swap3A_1270] : memref<128x104x128xf32, #tpu.memory_space<vmem>>, vector<1x104x128xf32>
    %swap3A_1272 = vector.shape_cast %swap3A_1271 : vector<1x104x128xf32> to vector<104x128xf32>
    %swap3A_1273 = vector.shape_cast %convert_element_type3A_1267 : vector<104x128xf32> to vector<1x104x128xf32>
    tpu.vector_store %arg2[%swap3A_1268, %swap3A_1269, %swap3A_1270], %swap3A_1273 {strides = array<i32>} : memref<128x104x128xf32, #tpu.memory_space<vmem>>, vector<1x104x128xf32>,
    %mul3A_1274 = arith.constant 128 : i32
    %mul3A_1275 = arith.muli %arg0, %mul3A_1274 : i32
    %add3A_1276 = arith.constant 80 : i32
    %add3A_1277 = arith.addi %mul3A_1275, %add3A_1276 : i32
    %get3A_1278 = arith.index_cast %add3A_1277 : i32 to index
    %get3A_1279 = memref.load %arg1[%get3A_1278] : memref<8192xi32, #tpu.memory_space<smem>>
    %lt3A_1280 = vector.broadcast %get3A_1279 : i32 to vector<104x128xi32>
    %lt3A_1281 = arith.cmpi slt, %iota3A, %lt3A_1280 : vector<104x128xi32>
    %convert_element_type3A_1282 = arith.extui %lt3A_1281 : vector<104x128xi1> to vector<104x128xi32>
    %convert_element_type3A_1283 = arith.sitofp %convert_element_type3A_1282 : vector<104x128xi32> to vector<104x128xf32>
    %swap3A_1284 = arith.constant 80 : index
    %swap3A_1285 = arith.constant 0 : index
    %swap3A_1286 = arith.constant 0 : index
    %swap3A_1287 = vector.load %arg2[%swap3A_1284, %swap3A_1285, %swap3A_1286] : memref<128x104x128xf32, #tpu.memory_space<vmem>>, vector<1x104x128xf32>
    %swap3A_1288 = vector.shape_cast %swap3A_1287 : vector<1x104x128xf32> to vector<104x128xf32>
    %swap3A_1289 = vector.shape_cast %convert_element_type3A_1283 : vector<104x128xf32> to vector<1x104x128xf32>
    tpu.vector_store %arg2[%swap3A_1284, %swap3A_1285, %swap3A_1286], %swap3A_1289 {strides = array<i32>} : memref<128x104x128xf32, #tpu.memory_space<vmem>>, vector<1x104x128xf32>,
    %mul3A_1290 = arith.constant 128 : i32
    %mul3A_1291 = arith.muli %arg0, %mul3A_1290 : i32
    %add3A_1292 = arith.constant 81 : i32
    %add3A_1293 = arith.addi %mul3A_1291, %add3A_1292 : i32
    %get3A_1294 = arith.index_cast %add3A_1293 : i32 to index
    %get3A_1295 = memref.load %arg1[%get3A_1294] : memref<8192xi32, #tpu.memory_space<smem>>
    %lt3A_1296 = vector.broadcast %get3A_1295 : i32 to vector<104x128xi32>
    %lt3A_1297 = arith.cmpi slt, %iota3A, %lt3A_1296 : vector<104x128xi32>
    %convert_element_type3A_1298 = arith.extui %lt3A_1297 : vector<104x128xi1> to vector<104x128xi32>
    %convert_element_type3A_1299 = arith.sitofp %convert_element_type3A_1298 : vector<104x128xi32> to vector<104x128xf32>
    %swap3A_1300 = arith.constant 81 : index
    %swap3A_1301 = arith.constant 0 : index
    %swap3A_1302 = arith.constant 0 : index
    %swap3A_1303 = vector.load %arg2[%swap3A_1300, %swap3A_1301, %swap3A_1302] : memref<128x104x128xf32, #tpu.memory_space<vmem>>, vector<1x104x128xf32>
    %swap3A_1304 = vector.shape_cast %swap3A_1303 : vector<1x104x128xf32> to vector<104x128xf32>
    %swap3A_1305 = vector.shape_cast %convert_element_type3A_1299 : vector<104x128xf32> to vector<1x104x128xf32>
    tpu.vector_store %arg2[%swap3A_1300, %swap3A_1301, %swap3A_1302], %swap3A_1305 {strides = array<i32>} : memref<128x104x128xf32, #tpu.memory_space<vmem>>, vector<1x104x128xf32>,
    %mul3A_1306 = arith.constant 128 : i32
    %mul3A_1307 = arith.muli %arg0, %mul3A_1306 : i32
    %add3A_1308 = arith.constant 82 : i32
    %add3A_1309 = arith.addi %mul3A_1307, %add3A_1308 : i32
    %get3A_1310 = arith.index_cast %add3A_1309 : i32 to index
    %get3A_1311 = memref.load %arg1[%get3A_1310] : memref<8192xi32, #tpu.memory_space<smem>>
    %lt3A_1312 = vector.broadcast %get3A_1311 : i32 to vector<104x128xi32>
    %lt3A_1313 = arith.cmpi slt, %iota3A, %lt3A_1312 : vector<104x128xi32>
    %convert_element_type3A_1314 = arith.extui %lt3A_1313 : vector<104x128xi1> to vector<104x128xi32>
    %convert_element_type3A_1315 = arith.sitofp %convert_element_type3A_1314 : vector<104x128xi32> to vector<104x128xf32>
    %swap3A_1316 = arith.constant 82 : index
    %swap3A_1317 = arith.constant 0 : index
    %swap3A_1318 = arith.constant 0 : index
    %swap3A_1319 = vector.load %arg2[%swap3A_1316, %swap3A_1317, %swap3A_1318] : memref<128x104x128xf32, #tpu.memory_space<vmem>>, vector<1x104x128xf32>
    %swap3A_1320 = vector.shape_cast %swap3A_1319 : vector<1x104x128xf32> to vector<104x128xf32>
    %swap3A_1321 = vector.shape_cast %convert_element_type3A_1315 : vector<104x128xf32> to vector<1x104x128xf32>
    tpu.vector_store %arg2[%swap3A_1316, %swap3A_1317, %swap3A_1318], %swap3A_1321 {strides = array<i32>} : memref<128x104x128xf32, #tpu.memory_space<vmem>>, vector<1x104x128xf32>,
    %mul3A_1322 = arith.constant 128 : i32
    %mul3A_1323 = arith.muli %arg0, %mul3A_1322 : i32
    %add3A_1324 = arith.constant 83 : i32
    %add3A_1325 = arith.addi %mul3A_1323, %add3A_1324 : i32
    %get3A_1326 = arith.index_cast %add3A_1325 : i32 to index
    %get3A_1327 = memref.load %arg1[%get3A_1326] : memref<8192xi32, #tpu.memory_space<smem>>
    %lt3A_1328 = vector.broadcast %get3A_1327 : i32 to vector<104x128xi32>
    %lt3A_1329 = arith.cmpi slt, %iota3A, %lt3A_1328 : vector<104x128xi32>
    %convert_element_type3A_1330 = arith.extui %lt3A_1329 : vector<104x128xi1> to vector<104x128xi32>
    %convert_element_type3A_1331 = arith.sitofp %convert_element_type3A_1330 : vector<104x128xi32> to vector<104x128xf32>
    %swap3A_1332 = arith.constant 83 : index
    %swap3A_1333 = arith.constant 0 : index
    %swap3A_1334 = arith.constant 0 : index
    %swap3A_1335 = vector.load %arg2[%swap3A_1332, %swap3A_1333, %swap3A_1334] : memref<128x104x128xf32, #tpu.memory_space<vmem>>, vector<1x104x128xf32>
    %swap3A_1336 = vector.shape_cast %swap3A_1335 : vector<1x104x128xf32> to vector<104x128xf32>
    %swap3A_1337 = vector.shape_cast %convert_element_type3A_1331 : vector<104x128xf32> to vector<1x104x128xf32>
    tpu.vector_store %arg2[%swap3A_1332, %swap3A_1333, %swap3A_1334], %swap3A_1337 {strides = array<i32>} : memref<128x104x128xf32, #tpu.memory_space<vmem>>, vector<1x104x128xf32>,
    %mul3A_1338 = arith.constant 128 : i32
    %mul3A_1339 = arith.muli %arg0, %mul3A_1338 : i32
    %add3A_1340 = arith.constant 84 : i32
    %add3A_1341 = arith.addi %mul3A_1339, %add3A_1340 : i32
    %get3A_1342 = arith.index_cast %add3A_1341 : i32 to index
    %get3A_1343 = memref.load %arg1[%get3A_1342] : memref<8192xi32, #tpu.memory_space<smem>>
    %lt3A_1344 = vector.broadcast %get3A_1343 : i32 to vector<104x128xi32>
    %lt3A_1345 = arith.cmpi slt, %iota3A, %lt3A_1344 : vector<104x128xi32>
    %convert_element_type3A_1346 = arith.extui %lt3A_1345 : vector<104x128xi1> to vector<104x128xi32>
    %convert_element_type3A_1347 = arith.sitofp %convert_element_type3A_1346 : vector<104x128xi32> to vector<104x128xf32>
    %swap3A_1348 = arith.constant 84 : index
    %swap3A_1349 = arith.constant 0 : index
    %swap3A_1350 = arith.constant 0 : index
    %swap3A_1351 = vector.load %arg2[%swap3A_1348, %swap3A_1349, %swap3A_1350] : memref<128x104x128xf32, #tpu.memory_space<vmem>>, vector<1x104x128xf32>
    %swap3A_1352 = vector.shape_cast %swap3A_1351 : vector<1x104x128xf32> to vector<104x128xf32>
    %swap3A_1353 = vector.shape_cast %convert_element_type3A_1347 : vector<104x128xf32> to vector<1x104x128xf32>
    tpu.vector_store %arg2[%swap3A_1348, %swap3A_1349, %swap3A_1350], %swap3A_1353 {strides = array<i32>} : memref<128x104x128xf32, #tpu.memory_space<vmem>>, vector<1x104x128xf32>,
    %mul3A_1354 = arith.constant 128 : i32
    %mul3A_1355 = arith.muli %arg0, %mul3A_1354 : i32
    %add3A_1356 = arith.constant 85 : i32
    %add3A_1357 = arith.addi %mul3A_1355, %add3A_1356 : i32
    %get3A_1358 = arith.index_cast %add3A_1357 : i32 to index
    %get3A_1359 = memref.load %arg1[%get3A_1358] : memref<8192xi32, #tpu.memory_space<smem>>
    %lt3A_1360 = vector.broadcast %get3A_1359 : i32 to vector<104x128xi32>
    %lt3A_1361 = arith.cmpi slt, %iota3A, %lt3A_1360 : vector<104x128xi32>
    %convert_element_type3A_1362 = arith.extui %lt3A_1361 : vector<104x128xi1> to vector<104x128xi32>
    %convert_element_type3A_1363 = arith.sitofp %convert_element_type3A_1362 : vector<104x128xi32> to vector<104x128xf32>
    %swap3A_1364 = arith.constant 85 : index
    %swap3A_1365 = arith.constant 0 : index
    %swap3A_1366 = arith.constant 0 : index
    %swap3A_1367 = vector.load %arg2[%swap3A_1364, %swap3A_1365, %swap3A_1366] : memref<128x104x128xf32, #tpu.memory_space<vmem>>, vector<1x104x128xf32>
    %swap3A_1368 = vector.shape_cast %swap3A_1367 : vector<1x104x128xf32> to vector<104x128xf32>
    %swap3A_1369 = vector.shape_cast %convert_element_type3A_1363 : vector<104x128xf32> to vector<1x104x128xf32>
    tpu.vector_store %arg2[%swap3A_1364, %swap3A_1365, %swap3A_1366], %swap3A_1369 {strides = array<i32>} : memref<128x104x128xf32, #tpu.memory_space<vmem>>, vector<1x104x128xf32>,
    %mul3A_1370 = arith.constant 128 : i32
    %mul3A_1371 = arith.muli %arg0, %mul3A_1370 : i32
    %add3A_1372 = arith.constant 86 : i32
    %add3A_1373 = arith.addi %mul3A_1371, %add3A_1372 : i32
    %get3A_1374 = arith.index_cast %add3A_1373 : i32 to index
    %get3A_1375 = memref.load %arg1[%get3A_1374] : memref<8192xi32, #tpu.memory_space<smem>>
    %lt3A_1376 = vector.broadcast %get3A_1375 : i32 to vector<104x128xi32>
    %lt3A_1377 = arith.cmpi slt, %iota3A, %lt3A_1376 : vector<104x128xi32>
    %convert_element_type3A_1378 = arith.extui %lt3A_1377 : vector<104x128xi1> to vector<104x128xi32>
    %convert_element_type3A_1379 = arith.sitofp %convert_element_type3A_1378 : vector<104x128xi32> to vector<104x128xf32>
    %swap3A_1380 = arith.constant 86 : index
    %swap3A_1381 = arith.constant 0 : index
    %swap3A_1382 = arith.constant 0 : index
    %swap3A_1383 = vector.load %arg2[%swap3A_1380, %swap3A_1381, %swap3A_1382] : memref<128x104x128xf32, #tpu.memory_space<vmem>>, vector<1x104x128xf32>
    %swap3A_1384 = vector.shape_cast %swap3A_1383 : vector<1x104x128xf32> to vector<104x128xf32>
    %swap3A_1385 = vector.shape_cast %convert_element_type3A_1379 : vector<104x128xf32> to vector<1x104x128xf32>
    tpu.vector_store %arg2[%swap3A_1380, %swap3A_1381, %swap3A_1382], %swap3A_1385 {strides = array<i32>} : memref<128x104x128xf32, #tpu.memory_space<vmem>>, vector<1x104x128xf32>,
    %mul3A_1386 = arith.constant 128 : i32
    %mul3A_1387 = arith.muli %arg0, %mul3A_1386 : i32
    %add3A_1388 = arith.constant 87 : i32
    %add3A_1389 = arith.addi %mul3A_1387, %add3A_1388 : i32
    %get3A_1390 = arith.index_cast %add3A_1389 : i32 to index
    %get3A_1391 = memref.load %arg1[%get3A_1390] : memref<8192xi32, #tpu.memory_space<smem>>
    %lt3A_1392 = vector.broadcast %get3A_1391 : i32 to vector<104x128xi32>
    %lt3A_1393 = arith.cmpi slt, %iota3A, %lt3A_1392 : vector<104x128xi32>
    %convert_element_type3A_1394 = arith.extui %lt3A_1393 : vector<104x128xi1> to vector<104x128xi32>
    %convert_element_type3A_1395 = arith.sitofp %convert_element_type3A_1394 : vector<104x128xi32> to vector<104x128xf32>
    %swap3A_1396 = arith.constant 87 : index
    %swap3A_1397 = arith.constant 0 : index
    %swap3A_1398 = arith.constant 0 : index
    %swap3A_1399 = vector.load %arg2[%swap3A_1396, %swap3A_1397, %swap3A_1398] : memref<128x104x128xf32, #tpu.memory_space<vmem>>, vector<1x104x128xf32>
    %swap3A_1400 = vector.shape_cast %swap3A_1399 : vector<1x104x128xf32> to vector<104x128xf32>
    %swap3A_1401 = vector.shape_cast %convert_element_type3A_1395 : vector<104x128xf32> to vector<1x104x128xf32>
    tpu.vector_store %arg2[%swap3A_1396, %swap3A_1397, %swap3A_1398], %swap3A_1401 {strides = array<i32>} : memref<128x104x128xf32, #tpu.memory_space<vmem>>, vector<1x104x128xf32>,
    %mul3A_1402 = arith.constant 128 : i32
    %mul3A_1403 = arith.muli %arg0, %mul3A_1402 : i32
    %add3A_1404 = arith.constant 88 : i32
    %add3A_1405 = arith.addi %mul3A_1403, %add3A_1404 : i32
    %get3A_1406 = arith.index_cast %add3A_1405 : i32 to index
    %get3A_1407 = memref.load %arg1[%get3A_1406] : memref<8192xi32, #tpu.memory_space<smem>>
    %lt3A_1408 = vector.broadcast %get3A_1407 : i32 to vector<104x128xi32>
    %lt3A_1409 = arith.cmpi slt, %iota3A, %lt3A_1408 : vector<104x128xi32>
    %convert_element_type3A_1410 = arith.extui %lt3A_1409 : vector<104x128xi1> to vector<104x128xi32>
    %convert_element_type3A_1411 = arith.sitofp %convert_element_type3A_1410 : vector<104x128xi32> to vector<104x128xf32>
    %swap3A_1412 = arith.constant 88 : index
    %swap3A_1413 = arith.constant 0 : index
    %swap3A_1414 = arith.constant 0 : index
    %swap3A_1415 = vector.load %arg2[%swap3A_1412, %swap3A_1413, %swap3A_1414] : memref<128x104x128xf32, #tpu.memory_space<vmem>>, vector<1x104x128xf32>
    %swap3A_1416 = vector.shape_cast %swap3A_1415 : vector<1x104x128xf32> to vector<104x128xf32>
    %swap3A_1417 = vector.shape_cast %convert_element_type3A_1411 : vector<104x128xf32> to vector<1x104x128xf32>
    tpu.vector_store %arg2[%swap3A_1412, %swap3A_1413, %swap3A_1414], %swap3A_1417 {strides = array<i32>} : memref<128x104x128xf32, #tpu.memory_space<vmem>>, vector<1x104x128xf32>,
    %mul3A_1418 = arith.constant 128 : i32
    %mul3A_1419 = arith.muli %arg0, %mul3A_1418 : i32
    %add3A_1420 = arith.constant 89 : i32
    %add3A_1421 = arith.addi %mul3A_1419, %add3A_1420 : i32
    %get3A_1422 = arith.index_cast %add3A_1421 : i32 to index
    %get3A_1423 = memref.load %arg1[%get3A_1422] : memref<8192xi32, #tpu.memory_space<smem>>
    %lt3A_1424 = vector.broadcast %get3A_1423 : i32 to vector<104x128xi32>
    %lt3A_1425 = arith.cmpi slt, %iota3A, %lt3A_1424 : vector<104x128xi32>
    %convert_element_type3A_1426 = arith.extui %lt3A_1425 : vector<104x128xi1> to vector<104x128xi32>
    %convert_element_type3A_1427 = arith.sitofp %convert_element_type3A_1426 : vector<104x128xi32> to vector<104x128xf32>
    %swap3A_1428 = arith.constant 89 : index
    %swap3A_1429 = arith.constant 0 : index
    %swap3A_1430 = arith.constant 0 : index
    %swap3A_1431 = vector.load %arg2[%swap3A_1428, %swap3A_1429, %swap3A_1430] : memref<128x104x128xf32, #tpu.memory_space<vmem>>, vector<1x104x128xf32>
    %swap3A_1432 = vector.shape_cast %swap3A_1431 : vector<1x104x128xf32> to vector<104x128xf32>
    %swap3A_1433 = vector.shape_cast %convert_element_type3A_1427 : vector<104x128xf32> to vector<1x104x128xf32>
    tpu.vector_store %arg2[%swap3A_1428, %swap3A_1429, %swap3A_1430], %swap3A_1433 {strides = array<i32>} : memref<128x104x128xf32, #tpu.memory_space<vmem>>, vector<1x104x128xf32>,
    %mul3A_1434 = arith.constant 128 : i32
    %mul3A_1435 = arith.muli %arg0, %mul3A_1434 : i32
    %add3A_1436 = arith.constant 90 : i32
    %add3A_1437 = arith.addi %mul3A_1435, %add3A_1436 : i32
    %get3A_1438 = arith.index_cast %add3A_1437 : i32 to index
    %get3A_1439 = memref.load %arg1[%get3A_1438] : memref<8192xi32, #tpu.memory_space<smem>>
    %lt3A_1440 = vector.broadcast %get3A_1439 : i32 to vector<104x128xi32>
    %lt3A_1441 = arith.cmpi slt, %iota3A, %lt3A_1440 : vector<104x128xi32>
    %convert_element_type3A_1442 = arith.extui %lt3A_1441 : vector<104x128xi1> to vector<104x128xi32>
    %convert_element_type3A_1443 = arith.sitofp %convert_element_type3A_1442 : vector<104x128xi32> to vector<104x128xf32>
    %swap3A_1444 = arith.constant 90 : index
    %swap3A_1445 = arith.constant 0 : index
    %swap3A_1446 = arith.constant 0 : index
    %swap3A_1447 = vector.load %arg2[%swap3A_1444, %swap3A_1445, %swap3A_1446] : memref<128x104x128xf32, #tpu.memory_space<vmem>>, vector<1x104x128xf32>
    %swap3A_1448 = vector.shape_cast %swap3A_1447 : vector<1x104x128xf32> to vector<104x128xf32>
    %swap3A_1449 = vector.shape_cast %convert_element_type3A_1443 : vector<104x128xf32> to vector<1x104x128xf32>
    tpu.vector_store %arg2[%swap3A_1444, %swap3A_1445, %swap3A_1446], %swap3A_1449 {strides = array<i32>} : memref<128x104x128xf32, #tpu.memory_space<vmem>>, vector<1x104x128xf32>,
    %mul3A_1450 = arith.constant 128 : i32
    %mul3A_1451 = arith.muli %arg0, %mul3A_1450 : i32
    %add3A_1452 = arith.constant 91 : i32
    %add3A_1453 = arith.addi %mul3A_1451, %add3A_1452 : i32
    %get3A_1454 = arith.index_cast %add3A_1453 : i32 to index
    %get3A_1455 = memref.load %arg1[%get3A_1454] : memref<8192xi32, #tpu.memory_space<smem>>
    %lt3A_1456 = vector.broadcast %get3A_1455 : i32 to vector<104x128xi32>
    %lt3A_1457 = arith.cmpi slt, %iota3A, %lt3A_1456 : vector<104x128xi32>
    %convert_element_type3A_1458 = arith.extui %lt3A_1457 : vector<104x128xi1> to vector<104x128xi32>
    %convert_element_type3A_1459 = arith.sitofp %convert_element_type3A_1458 : vector<104x128xi32> to vector<104x128xf32>
    %swap3A_1460 = arith.constant 91 : index
    %swap3A_1461 = arith.constant 0 : index
    %swap3A_1462 = arith.constant 0 : index
    %swap3A_1463 = vector.load %arg2[%swap3A_1460, %swap3A_1461, %swap3A_1462] : memref<128x104x128xf32, #tpu.memory_space<vmem>>, vector<1x104x128xf32>
    %swap3A_1464 = vector.shape_cast %swap3A_1463 : vector<1x104x128xf32> to vector<104x128xf32>
    %swap3A_1465 = vector.shape_cast %convert_element_type3A_1459 : vector<104x128xf32> to vector<1x104x128xf32>
    tpu.vector_store %arg2[%swap3A_1460, %swap3A_1461, %swap3A_1462], %swap3A_1465 {strides = array<i32>} : memref<128x104x128xf32, #tpu.memory_space<vmem>>, vector<1x104x128xf32>,
    %mul3A_1466 = arith.constant 128 : i32
    %mul3A_1467 = arith.muli %arg0, %mul3A_1466 : i32
    %add3A_1468 = arith.constant 92 : i32
    %add3A_1469 = arith.addi %mul3A_1467, %add3A_1468 : i32
    %get3A_1470 = arith.index_cast %add3A_1469 : i32 to index
    %get3A_1471 = memref.load %arg1[%get3A_1470] : memref<8192xi32, #tpu.memory_space<smem>>
    %lt3A_1472 = vector.broadcast %get3A_1471 : i32 to vector<104x128xi32>
    %lt3A_1473 = arith.cmpi slt, %iota3A, %lt3A_1472 : vector<104x128xi32>
    %convert_element_type3A_1474 = arith.extui %lt3A_1473 : vector<104x128xi1> to vector<104x128xi32>
    %convert_element_type3A_1475 = arith.sitofp %convert_element_type3A_1474 : vector<104x128xi32> to vector<104x128xf32>
    %swap3A_1476 = arith.constant 92 : index
    %swap3A_1477 = arith.constant 0 : index
    %swap3A_1478 = arith.constant 0 : index
    %swap3A_1479 = vector.load %arg2[%swap3A_1476, %swap3A_1477, %swap3A_1478] : memref<128x104x128xf32, #tpu.memory_space<vmem>>, vector<1x104x128xf32>
    %swap3A_1480 = vector.shape_cast %swap3A_1479 : vector<1x104x128xf32> to vector<104x128xf32>
    %swap3A_1481 = vector.shape_cast %convert_element_type3A_1475 : vector<104x128xf32> to vector<1x104x128xf32>
    tpu.vector_store %arg2[%swap3A_1476, %swap3A_1477, %swap3A_1478], %swap3A_1481 {strides = array<i32>} : memref<128x104x128xf32, #tpu.memory_space<vmem>>, vector<1x104x128xf32>,
    %mul3A_1482 = arith.constant 128 : i32
    %mul3A_1483 = arith.muli %arg0, %mul3A_1482 : i32
    %add3A_1484 = arith.constant 93 : i32
    %add3A_1485 = arith.addi %mul3A_1483, %add3A_1484 : i32
    %get3A_1486 = arith.index_cast %add3A_1485 : i32 to index
    %get3A_1487 = memref.load %arg1[%get3A_1486] : memref<8192xi32, #tpu.memory_space<smem>>
    %lt3A_1488 = vector.broadcast %get3A_1487 : i32 to vector<104x128xi32>
    %lt3A_1489 = arith.cmpi slt, %iota3A, %lt3A_1488 : vector<104x128xi32>
    %convert_element_type3A_1490 = arith.extui %lt3A_1489 : vector<104x128xi1> to vector<104x128xi32>
    %convert_element_type3A_1491 = arith.sitofp %convert_element_type3A_1490 : vector<104x128xi32> to vector<104x128xf32>
    %swap3A_1492 = arith.constant 93 : index
    %swap3A_1493 = arith.constant 0 : index
    %swap3A_1494 = arith.constant 0 : index
    %swap3A_1495 = vector.load %arg2[%swap3A_1492, %swap3A_1493, %swap3A_1494] : memref<128x104x128xf32, #tpu.memory_space<vmem>>, vector<1x104x128xf32>
    %swap3A_1496 = vector.shape_cast %swap3A_1495 : vector<1x104x128xf32> to vector<104x128xf32>
    %swap3A_1497 = vector.shape_cast %convert_element_type3A_1491 : vector<104x128xf32> to vector<1x104x128xf32>
    tpu.vector_store %arg2[%swap3A_1492, %swap3A_1493, %swap3A_1494], %swap3A_1497 {strides = array<i32>} : memref<128x104x128xf32, #tpu.memory_space<vmem>>, vector<1x104x128xf32>,
    %mul3A_1498 = arith.constant 128 : i32
    %mul3A_1499 = arith.muli %arg0, %mul3A_1498 : i32
    %add3A_1500 = arith.constant 94 : i32
    %add3A_1501 = arith.addi %mul3A_1499, %add3A_1500 : i32
    %get3A_1502 = arith.index_cast %add3A_1501 : i32 to index
    %get3A_1503 = memref.load %arg1[%get3A_1502] : memref<8192xi32, #tpu.memory_space<smem>>
    %lt3A_1504 = vector.broadcast %get3A_1503 : i32 to vector<104x128xi32>
    %lt3A_1505 = arith.cmpi slt, %iota3A, %lt3A_1504 : vector<104x128xi32>
    %convert_element_type3A_1506 = arith.extui %lt3A_1505 : vector<104x128xi1> to vector<104x128xi32>
    %convert_element_type3A_1507 = arith.sitofp %convert_element_type3A_1506 : vector<104x128xi32> to vector<104x128xf32>
    %swap3A_1508 = arith.constant 94 : index
    %swap3A_1509 = arith.constant 0 : index
    %swap3A_1510 = arith.constant 0 : index
    %swap3A_1511 = vector.load %arg2[%swap3A_1508, %swap3A_1509, %swap3A_1510] : memref<128x104x128xf32, #tpu.memory_space<vmem>>, vector<1x104x128xf32>
    %swap3A_1512 = vector.shape_cast %swap3A_1511 : vector<1x104x128xf32> to vector<104x128xf32>
    %swap3A_1513 = vector.shape_cast %convert_element_type3A_1507 : vector<104x128xf32> to vector<1x104x128xf32>
    tpu.vector_store %arg2[%swap3A_1508, %swap3A_1509, %swap3A_1510], %swap3A_1513 {strides = array<i32>} : memref<128x104x128xf32, #tpu.memory_space<vmem>>, vector<1x104x128xf32>,
    %mul3A_1514 = arith.constant 128 : i32
    %mul3A_1515 = arith.muli %arg0, %mul3A_1514 : i32
    %add3A_1516 = arith.constant 95 : i32
    %add3A_1517 = arith.addi %mul3A_1515, %add3A_1516 : i32
    %get3A_1518 = arith.index_cast %add3A_1517 : i32 to index
    %get3A_1519 = memref.load %arg1[%get3A_1518] : memref<8192xi32, #tpu.memory_space<smem>>
    %lt3A_1520 = vector.broadcast %get3A_1519 : i32 to vector<104x128xi32>
    %lt3A_1521 = arith.cmpi slt, %iota3A, %lt3A_1520 : vector<104x128xi32>
    %convert_element_type3A_1522 = arith.extui %lt3A_1521 : vector<104x128xi1> to vector<104x128xi32>
    %convert_element_type3A_1523 = arith.sitofp %convert_element_type3A_1522 : vector<104x128xi32> to vector<104x128xf32>
    %swap3A_1524 = arith.constant 95 : index
    %swap3A_1525 = arith.constant 0 : index
    %swap3A_1526 = arith.constant 0 : index
    %swap3A_1527 = vector.load %arg2[%swap3A_1524, %swap3A_1525, %swap3A_1526] : memref<128x104x128xf32, #tpu.memory_space<vmem>>, vector<1x104x128xf32>
    %swap3A_1528 = vector.shape_cast %swap3A_1527 : vector<1x104x128xf32> to vector<104x128xf32>
    %swap3A_1529 = vector.shape_cast %convert_element_type3A_1523 : vector<104x128xf32> to vector<1x104x128xf32>
    tpu.vector_store %arg2[%swap3A_1524, %swap3A_1525, %swap3A_1526], %swap3A_1529 {strides = array<i32>} : memref<128x104x128xf32, #tpu.memory_space<vmem>>, vector<1x104x128xf32>,
    %mul3A_1530 = arith.constant 128 : i32
    %mul3A_1531 = arith.muli %arg0, %mul3A_1530 : i32
    %add3A_1532 = arith.constant 96 : i32
    %add3A_1533 = arith.addi %mul3A_1531, %add3A_1532 : i32
    %get3A_1534 = arith.index_cast %add3A_1533 : i32 to index
    %get3A_1535 = memref.load %arg1[%get3A_1534] : memref<8192xi32, #tpu.memory_space<smem>>
    %lt3A_1536 = vector.broadcast %get3A_1535 : i32 to vector<104x128xi32>
    %lt3A_1537 = arith.cmpi slt, %iota3A, %lt3A_1536 : vector<104x128xi32>
    %convert_element_type3A_1538 = arith.extui %lt3A_1537 : vector<104x128xi1> to vector<104x128xi32>
    %convert_element_type3A_1539 = arith.sitofp %convert_element_type3A_1538 : vector<104x128xi32> to vector<104x128xf32>
    %swap3A_1540 = arith.constant 96 : index
    %swap3A_1541 = arith.constant 0 : index
    %swap3A_1542 = arith.constant 0 : index
    %swap3A_1543 = vector.load %arg2[%swap3A_1540, %swap3A_1541, %swap3A_1542] : memref<128x104x128xf32, #tpu.memory_space<vmem>>, vector<1x104x128xf32>
    %swap3A_1544 = vector.shape_cast %swap3A_1543 : vector<1x104x128xf32> to vector<104x128xf32>
    %swap3A_1545 = vector.shape_cast %convert_element_type3A_1539 : vector<104x128xf32> to vector<1x104x128xf32>
    tpu.vector_store %arg2[%swap3A_1540, %swap3A_1541, %swap3A_1542], %swap3A_1545 {strides = array<i32>} : memref<128x104x128xf32, #tpu.memory_space<vmem>>, vector<1x104x128xf32>,
    %mul3A_1546 = arith.constant 128 : i32
    %mul3A_1547 = arith.muli %arg0, %mul3A_1546 : i32
    %add3A_1548 = arith.constant 97 : i32
    %add3A_1549 = arith.addi %mul3A_1547, %add3A_1548 : i32
    %get3A_1550 = arith.index_cast %add3A_1549 : i32 to index
    %get3A_1551 = memref.load %arg1[%get3A_1550] : memref<8192xi32, #tpu.memory_space<smem>>
    %lt3A_1552 = vector.broadcast %get3A_1551 : i32 to vector<104x128xi32>
    %lt3A_1553 = arith.cmpi slt, %iota3A, %lt3A_1552 : vector<104x128xi32>
    %convert_element_type3A_1554 = arith.extui %lt3A_1553 : vector<104x128xi1> to vector<104x128xi32>
    %convert_element_type3A_1555 = arith.sitofp %convert_element_type3A_1554 : vector<104x128xi32> to vector<104x128xf32>
    %swap3A_1556 = arith.constant 97 : index
    %swap3A_1557 = arith.constant 0 : index
    %swap3A_1558 = arith.constant 0 : index
    %swap3A_1559 = vector.load %arg2[%swap3A_1556, %swap3A_1557, %swap3A_1558] : memref<128x104x128xf32, #tpu.memory_space<vmem>>, vector<1x104x128xf32>
    %swap3A_1560 = vector.shape_cast %swap3A_1559 : vector<1x104x128xf32> to vector<104x128xf32>
    %swap3A_1561 = vector.shape_cast %convert_element_type3A_1555 : vector<104x128xf32> to vector<1x104x128xf32>
    tpu.vector_store %arg2[%swap3A_1556, %swap3A_1557, %swap3A_1558], %swap3A_1561 {strides = array<i32>} : memref<128x104x128xf32, #tpu.memory_space<vmem>>, vector<1x104x128xf32>,
    %mul3A_1562 = arith.constant 128 : i32
    %mul3A_1563 = arith.muli %arg0, %mul3A_1562 : i32
    %add3A_1564 = arith.constant 98 : i32
    %add3A_1565 = arith.addi %mul3A_1563, %add3A_1564 : i32
    %get3A_1566 = arith.index_cast %add3A_1565 : i32 to index
    %get3A_1567 = memref.load %arg1[%get3A_1566] : memref<8192xi32, #tpu.memory_space<smem>>
    %lt3A_1568 = vector.broadcast %get3A_1567 : i32 to vector<104x128xi32>
    %lt3A_1569 = arith.cmpi slt, %iota3A, %lt3A_1568 : vector<104x128xi32>
    %convert_element_type3A_1570 = arith.extui %lt3A_1569 : vector<104x128xi1> to vector<104x128xi32>
    %convert_element_type3A_1571 = arith.sitofp %convert_element_type3A_1570 : vector<104x128xi32> to vector<104x128xf32>
    %swap3A_1572 = arith.constant 98 : index
    %swap3A_1573 = arith.constant 0 : index
    %swap3A_1574 = arith.constant 0 : index
    %swap3A_1575 = vector.load %arg2[%swap3A_1572, %swap3A_1573, %swap3A_1574] : memref<128x104x128xf32, #tpu.memory_space<vmem>>, vector<1x104x128xf32>
    %swap3A_1576 = vector.shape_cast %swap3A_1575 : vector<1x104x128xf32> to vector<104x128xf32>
    %swap3A_1577 = vector.shape_cast %convert_element_type3A_1571 : vector<104x128xf32> to vector<1x104x128xf32>
    tpu.vector_store %arg2[%swap3A_1572, %swap3A_1573, %swap3A_1574], %swap3A_1577 {strides = array<i32>} : memref<128x104x128xf32, #tpu.memory_space<vmem>>, vector<1x104x128xf32>,
    %mul3A_1578 = arith.constant 128 : i32
    %mul3A_1579 = arith.muli %arg0, %mul3A_1578 : i32
    %add3A_1580 = arith.constant 99 : i32
    %add3A_1581 = arith.addi %mul3A_1579, %add3A_1580 : i32
    %get3A_1582 = arith.index_cast %add3A_1581 : i32 to index
    %get3A_1583 = memref.load %arg1[%get3A_1582] : memref<8192xi32, #tpu.memory_space<smem>>
    %lt3A_1584 = vector.broadcast %get3A_1583 : i32 to vector<104x128xi32>
    %lt3A_1585 = arith.cmpi slt, %iota3A, %lt3A_1584 : vector<104x128xi32>
    %convert_element_type3A_1586 = arith.extui %lt3A_1585 : vector<104x128xi1> to vector<104x128xi32>
    %convert_element_type3A_1587 = arith.sitofp %convert_element_type3A_1586 : vector<104x128xi32> to vector<104x128xf32>
    %swap3A_1588 = arith.constant 99 : index
    %swap3A_1589 = arith.constant 0 : index
    %swap3A_1590 = arith.constant 0 : index
    %swap3A_1591 = vector.load %arg2[%swap3A_1588, %swap3A_1589, %swap3A_1590] : memref<128x104x128xf32, #tpu.memory_space<vmem>>, vector<1x104x128xf32>
    %swap3A_1592 = vector.shape_cast %swap3A_1591 : vector<1x104x128xf32> to vector<104x128xf32>
    %swap3A_1593 = vector.shape_cast %convert_element_type3A_1587 : vector<104x128xf32> to vector<1x104x128xf32>
    tpu.vector_store %arg2[%swap3A_1588, %swap3A_1589, %swap3A_1590], %swap3A_1593 {strides = array<i32>} : memref<128x104x128xf32, #tpu.memory_space<vmem>>, vector<1x104x128xf32>,
    %mul3A_1594 = arith.constant 128 : i32
    %mul3A_1595 = arith.muli %arg0, %mul3A_1594 : i32
    %add3A_1596 = arith.constant 100 : i32
    %add3A_1597 = arith.addi %mul3A_1595, %add3A_1596 : i32
    %get3A_1598 = arith.index_cast %add3A_1597 : i32 to index
    %get3A_1599 = memref.load %arg1[%get3A_1598] : memref<8192xi32, #tpu.memory_space<smem>>
    %lt3A_1600 = vector.broadcast %get3A_1599 : i32 to vector<104x128xi32>
    %lt3A_1601 = arith.cmpi slt, %iota3A, %lt3A_1600 : vector<104x128xi32>
    %convert_element_type3A_1602 = arith.extui %lt3A_1601 : vector<104x128xi1> to vector<104x128xi32>
    %convert_element_type3A_1603 = arith.sitofp %convert_element_type3A_1602 : vector<104x128xi32> to vector<104x128xf32>
    %swap3A_1604 = arith.constant 100 : index
    %swap3A_1605 = arith.constant 0 : index
    %swap3A_1606 = arith.constant 0 : index
    %swap3A_1607 = vector.load %arg2[%swap3A_1604, %swap3A_1605, %swap3A_1606] : memref<128x104x128xf32, #tpu.memory_space<vmem>>, vector<1x104x128xf32>
    %swap3A_1608 = vector.shape_cast %swap3A_1607 : vector<1x104x128xf32> to vector<104x128xf32>
    %swap3A_1609 = vector.shape_cast %convert_element_type3A_1603 : vector<104x128xf32> to vector<1x104x128xf32>
    tpu.vector_store %arg2[%swap3A_1604, %swap3A_1605, %swap3A_1606], %swap3A_1609 {strides = array<i32>} : memref<128x104x128xf32, #tpu.memory_space<vmem>>, vector<1x104x128xf32>,
    %mul3A_1610 = arith.constant 128 : i32
    %mul3A_1611 = arith.muli %arg0, %mul3A_1610 : i32
    %add3A_1612 = arith.constant 101 : i32
    %add3A_1613 = arith.addi %mul3A_1611, %add3A_1612 : i32
    %get3A_1614 = arith.index_cast %add3A_1613 : i32 to index
    %get3A_1615 = memref.load %arg1[%get3A_1614] : memref<8192xi32, #tpu.memory_space<smem>>
    %lt3A_1616 = vector.broadcast %get3A_1615 : i32 to vector<104x128xi32>
    %lt3A_1617 = arith.cmpi slt, %iota3A, %lt3A_1616 : vector<104x128xi32>
    %convert_element_type3A_1618 = arith.extui %lt3A_1617 : vector<104x128xi1> to vector<104x128xi32>
    %convert_element_type3A_1619 = arith.sitofp %convert_element_type3A_1618 : vector<104x128xi32> to vector<104x128xf32>
    %swap3A_1620 = arith.constant 101 : index
    %swap3A_1621 = arith.constant 0 : index
    %swap3A_1622 = arith.constant 0 : index
    %swap3A_1623 = vector.load %arg2[%swap3A_1620, %swap3A_1621, %swap3A_1622] : memref<128x104x128xf32, #tpu.memory_space<vmem>>, vector<1x104x128xf32>
    %swap3A_1624 = vector.shape_cast %swap3A_1623 : vector<1x104x128xf32> to vector<104x128xf32>
    %swap3A_1625 = vector.shape_cast %convert_element_type3A_1619 : vector<104x128xf32> to vector<1x104x128xf32>
    tpu.vector_store %arg2[%swap3A_1620, %swap3A_1621, %swap3A_1622], %swap3A_1625 {strides = array<i32>} : memref<128x104x128xf32, #tpu.memory_space<vmem>>, vector<1x104x128xf32>,
    %mul3A_1626 = arith.constant 128 : i32
    %mul3A_1627 = arith.muli %arg0, %mul3A_1626 : i32
    %add3A_1628 = arith.constant 102 : i32
    %add3A_1629 = arith.addi %mul3A_1627, %add3A_1628 : i32
    %get3A_1630 = arith.index_cast %add3A_1629 : i32 to index
    %get3A_1631 = memref.load %arg1[%get3A_1630] : memref<8192xi32, #tpu.memory_space<smem>>
    %lt3A_1632 = vector.broadcast %get3A_1631 : i32 to vector<104x128xi32>
    %lt3A_1633 = arith.cmpi slt, %iota3A, %lt3A_1632 : vector<104x128xi32>
    %convert_element_type3A_1634 = arith.extui %lt3A_1633 : vector<104x128xi1> to vector<104x128xi32>
    %convert_element_type3A_1635 = arith.sitofp %convert_element_type3A_1634 : vector<104x128xi32> to vector<104x128xf32>
    %swap3A_1636 = arith.constant 102 : index
    %swap3A_1637 = arith.constant 0 : index
    %swap3A_1638 = arith.constant 0 : index
    %swap3A_1639 = vector.load %arg2[%swap3A_1636, %swap3A_1637, %swap3A_1638] : memref<128x104x128xf32, #tpu.memory_space<vmem>>, vector<1x104x128xf32>
    %swap3A_1640 = vector.shape_cast %swap3A_1639 : vector<1x104x128xf32> to vector<104x128xf32>
    %swap3A_1641 = vector.shape_cast %convert_element_type3A_1635 : vector<104x128xf32> to vector<1x104x128xf32>
    tpu.vector_store %arg2[%swap3A_1636, %swap3A_1637, %swap3A_1638], %swap3A_1641 {strides = array<i32>} : memref<128x104x128xf32, #tpu.memory_space<vmem>>, vector<1x104x128xf32>,
    %mul3A_1642 = arith.constant 128 : i32
    %mul3A_1643 = arith.muli %arg0, %mul3A_1642 : i32
    %add3A_1644 = arith.constant 103 : i32
    %add3A_1645 = arith.addi %mul3A_1643, %add3A_1644 : i32
    %get3A_1646 = arith.index_cast %add3A_1645 : i32 to index
    %get3A_1647 = memref.load %arg1[%get3A_1646] : memref<8192xi32, #tpu.memory_space<smem>>
    %lt3A_1648 = vector.broadcast %get3A_1647 : i32 to vector<104x128xi32>
    %lt3A_1649 = arith.cmpi slt, %iota3A, %lt3A_1648 : vector<104x128xi32>
    %convert_element_type3A_1650 = arith.extui %lt3A_1649 : vector<104x128xi1> to vector<104x128xi32>
    %convert_element_type3A_1651 = arith.sitofp %convert_element_type3A_1650 : vector<104x128xi32> to vector<104x128xf32>
    %swap3A_1652 = arith.constant 103 : index
    %swap3A_1653 = arith.constant 0 : index
    %swap3A_1654 = arith.constant 0 : index
    %swap3A_1655 = vector.load %arg2[%swap3A_1652, %swap3A_1653, %swap3A_1654] : memref<128x104x128xf32, #tpu.memory_space<vmem>>, vector<1x104x128xf32>
    %swap3A_1656 = vector.shape_cast %swap3A_1655 : vector<1x104x128xf32> to vector<104x128xf32>
    %swap3A_1657 = vector.shape_cast %convert_element_type3A_1651 : vector<104x128xf32> to vector<1x104x128xf32>
    tpu.vector_store %arg2[%swap3A_1652, %swap3A_1653, %swap3A_1654], %swap3A_1657 {strides = array<i32>} : memref<128x104x128xf32, #tpu.memory_space<vmem>>, vector<1x104x128xf32>,
    %mul3A_1658 = arith.constant 128 : i32
    %mul3A_1659 = arith.muli %arg0, %mul3A_1658 : i32
    %add3A_1660 = arith.constant 104 : i32
    %add3A_1661 = arith.addi %mul3A_1659, %add3A_1660 : i32
    %get3A_1662 = arith.index_cast %add3A_1661 : i32 to index
    %get3A_1663 = memref.load %arg1[%get3A_1662] : memref<8192xi32, #tpu.memory_space<smem>>
    %lt3A_1664 = vector.broadcast %get3A_1663 : i32 to vector<104x128xi32>
    %lt3A_1665 = arith.cmpi slt, %iota3A, %lt3A_1664 : vector<104x128xi32>
    %convert_element_type3A_1666 = arith.extui %lt3A_1665 : vector<104x128xi1> to vector<104x128xi32>
    %convert_element_type3A_1667 = arith.sitofp %convert_element_type3A_1666 : vector<104x128xi32> to vector<104x128xf32>
    %swap3A_1668 = arith.constant 104 : index
    %swap3A_1669 = arith.constant 0 : index
    %swap3A_1670 = arith.constant 0 : index
    %swap3A_1671 = vector.load %arg2[%swap3A_1668, %swap3A_1669, %swap3A_1670] : memref<128x104x128xf32, #tpu.memory_space<vmem>>, vector<1x104x128xf32>
    %swap3A_1672 = vector.shape_cast %swap3A_1671 : vector<1x104x128xf32> to vector<104x128xf32>
    %swap3A_1673 = vector.shape_cast %convert_element_type3A_1667 : vector<104x128xf32> to vector<1x104x128xf32>
    tpu.vector_store %arg2[%swap3A_1668, %swap3A_1669, %swap3A_1670], %swap3A_1673 {strides = array<i32>} : memref<128x104x128xf32, #tpu.memory_space<vmem>>, vector<1x104x128xf32>,
    %mul3A_1674 = arith.constant 128 : i32
    %mul3A_1675 = arith.muli %arg0, %mul3A_1674 : i32
    %add3A_1676 = arith.constant 105 : i32
    %add3A_1677 = arith.addi %mul3A_1675, %add3A_1676 : i32
    %get3A_1678 = arith.index_cast %add3A_1677 : i32 to index
    %get3A_1679 = memref.load %arg1[%get3A_1678] : memref<8192xi32, #tpu.memory_space<smem>>
    %lt3A_1680 = vector.broadcast %get3A_1679 : i32 to vector<104x128xi32>
    %lt3A_1681 = arith.cmpi slt, %iota3A, %lt3A_1680 : vector<104x128xi32>
    %convert_element_type3A_1682 = arith.extui %lt3A_1681 : vector<104x128xi1> to vector<104x128xi32>
    %convert_element_type3A_1683 = arith.sitofp %convert_element_type3A_1682 : vector<104x128xi32> to vector<104x128xf32>
    %swap3A_1684 = arith.constant 105 : index
    %swap3A_1685 = arith.constant 0 : index
    %swap3A_1686 = arith.constant 0 : index
    %swap3A_1687 = vector.load %arg2[%swap3A_1684, %swap3A_1685, %swap3A_1686] : memref<128x104x128xf32, #tpu.memory_space<vmem>>, vector<1x104x128xf32>
    %swap3A_1688 = vector.shape_cast %swap3A_1687 : vector<1x104x128xf32> to vector<104x128xf32>
    %swap3A_1689 = vector.shape_cast %convert_element_type3A_1683 : vector<104x128xf32> to vector<1x104x128xf32>
    tpu.vector_store %arg2[%swap3A_1684, %swap3A_1685, %swap3A_1686], %swap3A_1689 {strides = array<i32>} : memref<128x104x128xf32, #tpu.memory_space<vmem>>, vector<1x104x128xf32>,
    %mul3A_1690 = arith.constant 128 : i32
    %mul3A_1691 = arith.muli %arg0, %mul3A_1690 : i32
    %add3A_1692 = arith.constant 106 : i32
    %add3A_1693 = arith.addi %mul3A_1691, %add3A_1692 : i32
    %get3A_1694 = arith.index_cast %add3A_1693 : i32 to index
    %get3A_1695 = memref.load %arg1[%get3A_1694] : memref<8192xi32, #tpu.memory_space<smem>>
    %lt3A_1696 = vector.broadcast %get3A_1695 : i32 to vector<104x128xi32>
    %lt3A_1697 = arith.cmpi slt, %iota3A, %lt3A_1696 : vector<104x128xi32>
    %convert_element_type3A_1698 = arith.extui %lt3A_1697 : vector<104x128xi1> to vector<104x128xi32>
    %convert_element_type3A_1699 = arith.sitofp %convert_element_type3A_1698 : vector<104x128xi32> to vector<104x128xf32>
    %swap3A_1700 = arith.constant 106 : index
    %swap3A_1701 = arith.constant 0 : index
    %swap3A_1702 = arith.constant 0 : index
    %swap3A_1703 = vector.load %arg2[%swap3A_1700, %swap3A_1701, %swap3A_1702] : memref<128x104x128xf32, #tpu.memory_space<vmem>>, vector<1x104x128xf32>
    %swap3A_1704 = vector.shape_cast %swap3A_1703 : vector<1x104x128xf32> to vector<104x128xf32>
    %swap3A_1705 = vector.shape_cast %convert_element_type3A_1699 : vector<104x128xf32> to vector<1x104x128xf32>
    tpu.vector_store %arg2[%swap3A_1700, %swap3A_1701, %swap3A_1702], %swap3A_1705 {strides = array<i32>} : memref<128x104x128xf32, #tpu.memory_space<vmem>>, vector<1x104x128xf32>,
    %mul3A_1706 = arith.constant 128 : i32
    %mul3A_1707 = arith.muli %arg0, %mul3A_1706 : i32
    %add3A_1708 = arith.constant 107 : i32
    %add3A_1709 = arith.addi %mul3A_1707, %add3A_1708 : i32
    %get3A_1710 = arith.index_cast %add3A_1709 : i32 to index
    %get3A_1711 = memref.load %arg1[%get3A_1710] : memref<8192xi32, #tpu.memory_space<smem>>
    %lt3A_1712 = vector.broadcast %get3A_1711 : i32 to vector<104x128xi32>
    %lt3A_1713 = arith.cmpi slt, %iota3A, %lt3A_1712 : vector<104x128xi32>
    %convert_element_type3A_1714 = arith.extui %lt3A_1713 : vector<104x128xi1> to vector<104x128xi32>
    %convert_element_type3A_1715 = arith.sitofp %convert_element_type3A_1714 : vector<104x128xi32> to vector<104x128xf32>
    %swap3A_1716 = arith.constant 107 : index
    %swap3A_1717 = arith.constant 0 : index
    %swap3A_1718 = arith.constant 0 : index
    %swap3A_1719 = vector.load %arg2[%swap3A_1716, %swap3A_1717, %swap3A_1718] : memref<128x104x128xf32, #tpu.memory_space<vmem>>, vector<1x104x128xf32>
    %swap3A_1720 = vector.shape_cast %swap3A_1719 : vector<1x104x128xf32> to vector<104x128xf32>
    %swap3A_1721 = vector.shape_cast %convert_element_type3A_1715 : vector<104x128xf32> to vector<1x104x128xf32>
    tpu.vector_store %arg2[%swap3A_1716, %swap3A_1717, %swap3A_1718], %swap3A_1721 {strides = array<i32>} : memref<128x104x128xf32, #tpu.memory_space<vmem>>, vector<1x104x128xf32>,
    %mul3A_1722 = arith.constant 128 : i32
    %mul3A_1723 = arith.muli %arg0, %mul3A_1722 : i32
    %add3A_1724 = arith.constant 108 : i32
    %add3A_1725 = arith.addi %mul3A_1723, %add3A_1724 : i32
    %get3A_1726 = arith.index_cast %add3A_1725 : i32 to index
    %get3A_1727 = memref.load %arg1[%get3A_1726] : memref<8192xi32, #tpu.memory_space<smem>>
    %lt3A_1728 = vector.broadcast %get3A_1727 : i32 to vector<104x128xi32>
    %lt3A_1729 = arith.cmpi slt, %iota3A, %lt3A_1728 : vector<104x128xi32>
    %convert_element_type3A_1730 = arith.extui %lt3A_1729 : vector<104x128xi1> to vector<104x128xi32>
    %convert_element_type3A_1731 = arith.sitofp %convert_element_type3A_1730 : vector<104x128xi32> to vector<104x128xf32>
    %swap3A_1732 = arith.constant 108 : index
    %swap3A_1733 = arith.constant 0 : index
    %swap3A_1734 = arith.constant 0 : index
    %swap3A_1735 = vector.load %arg2[%swap3A_1732, %swap3A_1733, %swap3A_1734] : memref<128x104x128xf32, #tpu.memory_space<vmem>>, vector<1x104x128xf32>
    %swap3A_1736 = vector.shape_cast %swap3A_1735 : vector<1x104x128xf32> to vector<104x128xf32>
    %swap3A_1737 = vector.shape_cast %convert_element_type3A_1731 : vector<104x128xf32> to vector<1x104x128xf32>
    tpu.vector_store %arg2[%swap3A_1732, %swap3A_1733, %swap3A_1734], %swap3A_1737 {strides = array<i32>} : memref<128x104x128xf32, #tpu.memory_space<vmem>>, vector<1x104x128xf32>,
    %mul3A_1738 = arith.constant 128 : i32
    %mul3A_1739 = arith.muli %arg0, %mul3A_1738 : i32
    %add3A_1740 = arith.constant 109 : i32
    %add3A_1741 = arith.addi %mul3A_1739, %add3A_1740 : i32
    %get3A_1742 = arith.index_cast %add3A_1741 : i32 to index
    %get3A_1743 = memref.load %arg1[%get3A_1742] : memref<8192xi32, #tpu.memory_space<smem>>
    %lt3A_1744 = vector.broadcast %get3A_1743 : i32 to vector<104x128xi32>
    %lt3A_1745 = arith.cmpi slt, %iota3A, %lt3A_1744 : vector<104x128xi32>
    %convert_element_type3A_1746 = arith.extui %lt3A_1745 : vector<104x128xi1> to vector<104x128xi32>
    %convert_element_type3A_1747 = arith.sitofp %convert_element_type3A_1746 : vector<104x128xi32> to vector<104x128xf32>
    %swap3A_1748 = arith.constant 109 : index
    %swap3A_1749 = arith.constant 0 : index
    %swap3A_1750 = arith.constant 0 : index
    %swap3A_1751 = vector.load %arg2[%swap3A_1748, %swap3A_1749, %swap3A_1750] : memref<128x104x128xf32, #tpu.memory_space<vmem>>, vector<1x104x128xf32>
    %swap3A_1752 = vector.shape_cast %swap3A_1751 : vector<1x104x128xf32> to vector<104x128xf32>
    %swap3A_1753 = vector.shape_cast %convert_element_type3A_1747 : vector<104x128xf32> to vector<1x104x128xf32>
    tpu.vector_store %arg2[%swap3A_1748, %swap3A_1749, %swap3A_1750], %swap3A_1753 {strides = array<i32>} : memref<128x104x128xf32, #tpu.memory_space<vmem>>, vector<1x104x128xf32>,
    %mul3A_1754 = arith.constant 128 : i32
    %mul3A_1755 = arith.muli %arg0, %mul3A_1754 : i32
    %add3A_1756 = arith.constant 110 : i32
    %add3A_1757 = arith.addi %mul3A_1755, %add3A_1756 : i32
    %get3A_1758 = arith.index_cast %add3A_1757 : i32 to index
    %get3A_1759 = memref.load %arg1[%get3A_1758] : memref<8192xi32, #tpu.memory_space<smem>>
    %lt3A_1760 = vector.broadcast %get3A_1759 : i32 to vector<104x128xi32>
    %lt3A_1761 = arith.cmpi slt, %iota3A, %lt3A_1760 : vector<104x128xi32>
    %convert_element_type3A_1762 = arith.extui %lt3A_1761 : vector<104x128xi1> to vector<104x128xi32>
    %convert_element_type3A_1763 = arith.sitofp %convert_element_type3A_1762 : vector<104x128xi32> to vector<104x128xf32>
    %swap3A_1764 = arith.constant 110 : index
    %swap3A_1765 = arith.constant 0 : index
    %swap3A_1766 = arith.constant 0 : index
    %swap3A_1767 = vector.load %arg2[%swap3A_1764, %swap3A_1765, %swap3A_1766] : memref<128x104x128xf32, #tpu.memory_space<vmem>>, vector<1x104x128xf32>
    %swap3A_1768 = vector.shape_cast %swap3A_1767 : vector<1x104x128xf32> to vector<104x128xf32>
    %swap3A_1769 = vector.shape_cast %convert_element_type3A_1763 : vector<104x128xf32> to vector<1x104x128xf32>
    tpu.vector_store %arg2[%swap3A_1764, %swap3A_1765, %swap3A_1766], %swap3A_1769 {strides = array<i32>} : memref<128x104x128xf32, #tpu.memory_space<vmem>>, vector<1x104x128xf32>,
    %mul3A_1770 = arith.constant 128 : i32
    %mul3A_1771 = arith.muli %arg0, %mul3A_1770 : i32
    %add3A_1772 = arith.constant 111 : i32
    %add3A_1773 = arith.addi %mul3A_1771, %add3A_1772 : i32
    %get3A_1774 = arith.index_cast %add3A_1773 : i32 to index
    %get3A_1775 = memref.load %arg1[%get3A_1774] : memref<8192xi32, #tpu.memory_space<smem>>
    %lt3A_1776 = vector.broadcast %get3A_1775 : i32 to vector<104x128xi32>
    %lt3A_1777 = arith.cmpi slt, %iota3A, %lt3A_1776 : vector<104x128xi32>
    %convert_element_type3A_1778 = arith.extui %lt3A_1777 : vector<104x128xi1> to vector<104x128xi32>
    %convert_element_type3A_1779 = arith.sitofp %convert_element_type3A_1778 : vector<104x128xi32> to vector<104x128xf32>
    %swap3A_1780 = arith.constant 111 : index
    %swap3A_1781 = arith.constant 0 : index
    %swap3A_1782 = arith.constant 0 : index
    %swap3A_1783 = vector.load %arg2[%swap3A_1780, %swap3A_1781, %swap3A_1782] : memref<128x104x128xf32, #tpu.memory_space<vmem>>, vector<1x104x128xf32>
    %swap3A_1784 = vector.shape_cast %swap3A_1783 : vector<1x104x128xf32> to vector<104x128xf32>
    %swap3A_1785 = vector.shape_cast %convert_element_type3A_1779 : vector<104x128xf32> to vector<1x104x128xf32>
    tpu.vector_store %arg2[%swap3A_1780, %swap3A_1781, %swap3A_1782], %swap3A_1785 {strides = array<i32>} : memref<128x104x128xf32, #tpu.memory_space<vmem>>, vector<1x104x128xf32>,
    %mul3A_1786 = arith.constant 128 : i32
    %mul3A_1787 = arith.muli %arg0, %mul3A_1786 : i32
    %add3A_1788 = arith.constant 112 : i32
    %add3A_1789 = arith.addi %mul3A_1787, %add3A_1788 : i32
    %get3A_1790 = arith.index_cast %add3A_1789 : i32 to index
    %get3A_1791 = memref.load %arg1[%get3A_1790] : memref<8192xi32, #tpu.memory_space<smem>>
    %lt3A_1792 = vector.broadcast %get3A_1791 : i32 to vector<104x128xi32>
    %lt3A_1793 = arith.cmpi slt, %iota3A, %lt3A_1792 : vector<104x128xi32>
    %convert_element_type3A_1794 = arith.extui %lt3A_1793 : vector<104x128xi1> to vector<104x128xi32>
    %convert_element_type3A_1795 = arith.sitofp %convert_element_type3A_1794 : vector<104x128xi32> to vector<104x128xf32>
    %swap3A_1796 = arith.constant 112 : index
    %swap3A_1797 = arith.constant 0 : index
    %swap3A_1798 = arith.constant 0 : index
    %swap3A_1799 = vector.load %arg2[%swap3A_1796, %swap3A_1797, %swap3A_1798] : memref<128x104x128xf32, #tpu.memory_space<vmem>>, vector<1x104x128xf32>
    %swap3A_1800 = vector.shape_cast %swap3A_1799 : vector<1x104x128xf32> to vector<104x128xf32>
    %swap3A_1801 = vector.shape_cast %convert_element_type3A_1795 : vector<104x128xf32> to vector<1x104x128xf32>
    tpu.vector_store %arg2[%swap3A_1796, %swap3A_1797, %swap3A_1798], %swap3A_1801 {strides = array<i32>} : memref<128x104x128xf32, #tpu.memory_space<vmem>>, vector<1x104x128xf32>,
    %mul3A_1802 = arith.constant 128 : i32
    %mul3A_1803 = arith.muli %arg0, %mul3A_1802 : i32
    %add3A_1804 = arith.constant 113 : i32
    %add3A_1805 = arith.addi %mul3A_1803, %add3A_1804 : i32
    %get3A_1806 = arith.index_cast %add3A_1805 : i32 to index
    %get3A_1807 = memref.load %arg1[%get3A_1806] : memref<8192xi32, #tpu.memory_space<smem>>
    %lt3A_1808 = vector.broadcast %get3A_1807 : i32 to vector<104x128xi32>
    %lt3A_1809 = arith.cmpi slt, %iota3A, %lt3A_1808 : vector<104x128xi32>
    %convert_element_type3A_1810 = arith.extui %lt3A_1809 : vector<104x128xi1> to vector<104x128xi32>
    %convert_element_type3A_1811 = arith.sitofp %convert_element_type3A_1810 : vector<104x128xi32> to vector<104x128xf32>
    %swap3A_1812 = arith.constant 113 : index
    %swap3A_1813 = arith.constant 0 : index
    %swap3A_1814 = arith.constant 0 : index
    %swap3A_1815 = vector.load %arg2[%swap3A_1812, %swap3A_1813, %swap3A_1814] : memref<128x104x128xf32, #tpu.memory_space<vmem>>, vector<1x104x128xf32>
    %swap3A_1816 = vector.shape_cast %swap3A_1815 : vector<1x104x128xf32> to vector<104x128xf32>
    %swap3A_1817 = vector.shape_cast %convert_element_type3A_1811 : vector<104x128xf32> to vector<1x104x128xf32>
    tpu.vector_store %arg2[%swap3A_1812, %swap3A_1813, %swap3A_1814], %swap3A_1817 {strides = array<i32>} : memref<128x104x128xf32, #tpu.memory_space<vmem>>, vector<1x104x128xf32>,
    %mul3A_1818 = arith.constant 128 : i32
    %mul3A_1819 = arith.muli %arg0, %mul3A_1818 : i32
    %add3A_1820 = arith.constant 114 : i32
    %add3A_1821 = arith.addi %mul3A_1819, %add3A_1820 : i32
    %get3A_1822 = arith.index_cast %add3A_1821 : i32 to index
    %get3A_1823 = memref.load %arg1[%get3A_1822] : memref<8192xi32, #tpu.memory_space<smem>>
    %lt3A_1824 = vector.broadcast %get3A_1823 : i32 to vector<104x128xi32>
    %lt3A_1825 = arith.cmpi slt, %iota3A, %lt3A_1824 : vector<104x128xi32>
    %convert_element_type3A_1826 = arith.extui %lt3A_1825 : vector<104x128xi1> to vector<104x128xi32>
    %convert_element_type3A_1827 = arith.sitofp %convert_element_type3A_1826 : vector<104x128xi32> to vector<104x128xf32>
    %swap3A_1828 = arith.constant 114 : index
    %swap3A_1829 = arith.constant 0 : index
    %swap3A_1830 = arith.constant 0 : index
    %swap3A_1831 = vector.load %arg2[%swap3A_1828, %swap3A_1829, %swap3A_1830] : memref<128x104x128xf32, #tpu.memory_space<vmem>>, vector<1x104x128xf32>
    %swap3A_1832 = vector.shape_cast %swap3A_1831 : vector<1x104x128xf32> to vector<104x128xf32>
    %swap3A_1833 = vector.shape_cast %convert_element_type3A_1827 : vector<104x128xf32> to vector<1x104x128xf32>
    tpu.vector_store %arg2[%swap3A_1828, %swap3A_1829, %swap3A_1830], %swap3A_1833 {strides = array<i32>} : memref<128x104x128xf32, #tpu.memory_space<vmem>>, vector<1x104x128xf32>,
    %mul3A_1834 = arith.constant 128 : i32
    %mul3A_1835 = arith.muli %arg0, %mul3A_1834 : i32
    %add3A_1836 = arith.constant 115 : i32
    %add3A_1837 = arith.addi %mul3A_1835, %add3A_1836 : i32
    %get3A_1838 = arith.index_cast %add3A_1837 : i32 to index
    %get3A_1839 = memref.load %arg1[%get3A_1838] : memref<8192xi32, #tpu.memory_space<smem>>
    %lt3A_1840 = vector.broadcast %get3A_1839 : i32 to vector<104x128xi32>
    %lt3A_1841 = arith.cmpi slt, %iota3A, %lt3A_1840 : vector<104x128xi32>
    %convert_element_type3A_1842 = arith.extui %lt3A_1841 : vector<104x128xi1> to vector<104x128xi32>
    %convert_element_type3A_1843 = arith.sitofp %convert_element_type3A_1842 : vector<104x128xi32> to vector<104x128xf32>
    %swap3A_1844 = arith.constant 115 : index
    %swap3A_1845 = arith.constant 0 : index
    %swap3A_1846 = arith.constant 0 : index
    %swap3A_1847 = vector.load %arg2[%swap3A_1844, %swap3A_1845, %swap3A_1846] : memref<128x104x128xf32, #tpu.memory_space<vmem>>, vector<1x104x128xf32>
    %swap3A_1848 = vector.shape_cast %swap3A_1847 : vector<1x104x128xf32> to vector<104x128xf32>
    %swap3A_1849 = vector.shape_cast %convert_element_type3A_1843 : vector<104x128xf32> to vector<1x104x128xf32>
    tpu.vector_store %arg2[%swap3A_1844, %swap3A_1845, %swap3A_1846], %swap3A_1849 {strides = array<i32>} : memref<128x104x128xf32, #tpu.memory_space<vmem>>, vector<1x104x128xf32>,
    %mul3A_1850 = arith.constant 128 : i32
    %mul3A_1851 = arith.muli %arg0, %mul3A_1850 : i32
    %add3A_1852 = arith.constant 116 : i32
    %add3A_1853 = arith.addi %mul3A_1851, %add3A_1852 : i32
    %get3A_1854 = arith.index_cast %add3A_1853 : i32 to index
    %get3A_1855 = memref.load %arg1[%get3A_1854] : memref<8192xi32, #tpu.memory_space<smem>>
    %lt3A_1856 = vector.broadcast %get3A_1855 : i32 to vector<104x128xi32>
    %lt3A_1857 = arith.cmpi slt, %iota3A, %lt3A_1856 : vector<104x128xi32>
    %convert_element_type3A_1858 = arith.extui %lt3A_1857 : vector<104x128xi1> to vector<104x128xi32>
    %convert_element_type3A_1859 = arith.sitofp %convert_element_type3A_1858 : vector<104x128xi32> to vector<104x128xf32>
    %swap3A_1860 = arith.constant 116 : index
    %swap3A_1861 = arith.constant 0 : index
    %swap3A_1862 = arith.constant 0 : index
    %swap3A_1863 = vector.load %arg2[%swap3A_1860, %swap3A_1861, %swap3A_1862] : memref<128x104x128xf32, #tpu.memory_space<vmem>>, vector<1x104x128xf32>
    %swap3A_1864 = vector.shape_cast %swap3A_1863 : vector<1x104x128xf32> to vector<104x128xf32>
    %swap3A_1865 = vector.shape_cast %convert_element_type3A_1859 : vector<104x128xf32> to vector<1x104x128xf32>
    tpu.vector_store %arg2[%swap3A_1860, %swap3A_1861, %swap3A_1862], %swap3A_1865 {strides = array<i32>} : memref<128x104x128xf32, #tpu.memory_space<vmem>>, vector<1x104x128xf32>,
    %mul3A_1866 = arith.constant 128 : i32
    %mul3A_1867 = arith.muli %arg0, %mul3A_1866 : i32
    %add3A_1868 = arith.constant 117 : i32
    %add3A_1869 = arith.addi %mul3A_1867, %add3A_1868 : i32
    %get3A_1870 = arith.index_cast %add3A_1869 : i32 to index
    %get3A_1871 = memref.load %arg1[%get3A_1870] : memref<8192xi32, #tpu.memory_space<smem>>
    %lt3A_1872 = vector.broadcast %get3A_1871 : i32 to vector<104x128xi32>
    %lt3A_1873 = arith.cmpi slt, %iota3A, %lt3A_1872 : vector<104x128xi32>
    %convert_element_type3A_1874 = arith.extui %lt3A_1873 : vector<104x128xi1> to vector<104x128xi32>
    %convert_element_type3A_1875 = arith.sitofp %convert_element_type3A_1874 : vector<104x128xi32> to vector<104x128xf32>
    %swap3A_1876 = arith.constant 117 : index
    %swap3A_1877 = arith.constant 0 : index
    %swap3A_1878 = arith.constant 0 : index
    %swap3A_1879 = vector.load %arg2[%swap3A_1876, %swap3A_1877, %swap3A_1878] : memref<128x104x128xf32, #tpu.memory_space<vmem>>, vector<1x104x128xf32>
    %swap3A_1880 = vector.shape_cast %swap3A_1879 : vector<1x104x128xf32> to vector<104x128xf32>
    %swap3A_1881 = vector.shape_cast %convert_element_type3A_1875 : vector<104x128xf32> to vector<1x104x128xf32>
    tpu.vector_store %arg2[%swap3A_1876, %swap3A_1877, %swap3A_1878], %swap3A_1881 {strides = array<i32>} : memref<128x104x128xf32, #tpu.memory_space<vmem>>, vector<1x104x128xf32>,
    %mul3A_1882 = arith.constant 128 : i32
    %mul3A_1883 = arith.muli %arg0, %mul3A_1882 : i32
    %add3A_1884 = arith.constant 118 : i32
    %add3A_1885 = arith.addi %mul3A_1883, %add3A_1884 : i32
    %get3A_1886 = arith.index_cast %add3A_1885 : i32 to index
    %get3A_1887 = memref.load %arg1[%get3A_1886] : memref<8192xi32, #tpu.memory_space<smem>>
    %lt3A_1888 = vector.broadcast %get3A_1887 : i32 to vector<104x128xi32>
    %lt3A_1889 = arith.cmpi slt, %iota3A, %lt3A_1888 : vector<104x128xi32>
    %convert_element_type3A_1890 = arith.extui %lt3A_1889 : vector<104x128xi1> to vector<104x128xi32>
    %convert_element_type3A_1891 = arith.sitofp %convert_element_type3A_1890 : vector<104x128xi32> to vector<104x128xf32>
    %swap3A_1892 = arith.constant 118 : index
    %swap3A_1893 = arith.constant 0 : index
    %swap3A_1894 = arith.constant 0 : index
    %swap3A_1895 = vector.load %arg2[%swap3A_1892, %swap3A_1893, %swap3A_1894] : memref<128x104x128xf32, #tpu.memory_space<vmem>>, vector<1x104x128xf32>
    %swap3A_1896 = vector.shape_cast %swap3A_1895 : vector<1x104x128xf32> to vector<104x128xf32>
    %swap3A_1897 = vector.shape_cast %convert_element_type3A_1891 : vector<104x128xf32> to vector<1x104x128xf32>
    tpu.vector_store %arg2[%swap3A_1892, %swap3A_1893, %swap3A_1894], %swap3A_1897 {strides = array<i32>} : memref<128x104x128xf32, #tpu.memory_space<vmem>>, vector<1x104x128xf32>,
    %mul3A_1898 = arith.constant 128 : i32
    %mul3A_1899 = arith.muli %arg0, %mul3A_1898 : i32
    %add3A_1900 = arith.constant 119 : i32
    %add3A_1901 = arith.addi %mul3A_1899, %add3A_1900 : i32
    %get3A_1902 = arith.index_cast %add3A_1901 : i32 to index
    %get3A_1903 = memref.load %arg1[%get3A_1902] : memref<8192xi32, #tpu.memory_space<smem>>
    %lt3A_1904 = vector.broadcast %get3A_1903 : i32 to vector<104x128xi32>
    %lt3A_1905 = arith.cmpi slt, %iota3A, %lt3A_1904 : vector<104x128xi32>
    %convert_element_type3A_1906 = arith.extui %lt3A_1905 : vector<104x128xi1> to vector<104x128xi32>
    %convert_element_type3A_1907 = arith.sitofp %convert_element_type3A_1906 : vector<104x128xi32> to vector<104x128xf32>
    %swap3A_1908 = arith.constant 119 : index
    %swap3A_1909 = arith.constant 0 : index
    %swap3A_1910 = arith.constant 0 : index
    %swap3A_1911 = vector.load %arg2[%swap3A_1908, %swap3A_1909, %swap3A_1910] : memref<128x104x128xf32, #tpu.memory_space<vmem>>, vector<1x104x128xf32>
    %swap3A_1912 = vector.shape_cast %swap3A_1911 : vector<1x104x128xf32> to vector<104x128xf32>
    %swap3A_1913 = vector.shape_cast %convert_element_type3A_1907 : vector<104x128xf32> to vector<1x104x128xf32>
    tpu.vector_store %arg2[%swap3A_1908, %swap3A_1909, %swap3A_1910], %swap3A_1913 {strides = array<i32>} : memref<128x104x128xf32, #tpu.memory_space<vmem>>, vector<1x104x128xf32>,
    %mul3A_1914 = arith.constant 128 : i32
    %mul3A_1915 = arith.muli %arg0, %mul3A_1914 : i32
    %add3A_1916 = arith.constant 120 : i32
    %add3A_1917 = arith.addi %mul3A_1915, %add3A_1916 : i32
    %get3A_1918 = arith.index_cast %add3A_1917 : i32 to index
    %get3A_1919 = memref.load %arg1[%get3A_1918] : memref<8192xi32, #tpu.memory_space<smem>>
    %lt3A_1920 = vector.broadcast %get3A_1919 : i32 to vector<104x128xi32>
    %lt3A_1921 = arith.cmpi slt, %iota3A, %lt3A_1920 : vector<104x128xi32>
    %convert_element_type3A_1922 = arith.extui %lt3A_1921 : vector<104x128xi1> to vector<104x128xi32>
    %convert_element_type3A_1923 = arith.sitofp %convert_element_type3A_1922 : vector<104x128xi32> to vector<104x128xf32>
    %swap3A_1924 = arith.constant 120 : index
    %swap3A_1925 = arith.constant 0 : index
    %swap3A_1926 = arith.constant 0 : index
    %swap3A_1927 = vector.load %arg2[%swap3A_1924, %swap3A_1925, %swap3A_1926] : memref<128x104x128xf32, #tpu.memory_space<vmem>>, vector<1x104x128xf32>
    %swap3A_1928 = vector.shape_cast %swap3A_1927 : vector<1x104x128xf32> to vector<104x128xf32>
    %swap3A_1929 = vector.shape_cast %convert_element_type3A_1923 : vector<104x128xf32> to vector<1x104x128xf32>
    tpu.vector_store %arg2[%swap3A_1924, %swap3A_1925, %swap3A_1926], %swap3A_1929 {strides = array<i32>} : memref<128x104x128xf32, #tpu.memory_space<vmem>>, vector<1x104x128xf32>,
    %mul3A_1930 = arith.constant 128 : i32
    %mul3A_1931 = arith.muli %arg0, %mul3A_1930 : i32
    %add3A_1932 = arith.constant 121 : i32
    %add3A_1933 = arith.addi %mul3A_1931, %add3A_1932 : i32
    %get3A_1934 = arith.index_cast %add3A_1933 : i32 to index
    %get3A_1935 = memref.load %arg1[%get3A_1934] : memref<8192xi32, #tpu.memory_space<smem>>
    %lt3A_1936 = vector.broadcast %get3A_1935 : i32 to vector<104x128xi32>
    %lt3A_1937 = arith.cmpi slt, %iota3A, %lt3A_1936 : vector<104x128xi32>
    %convert_element_type3A_1938 = arith.extui %lt3A_1937 : vector<104x128xi1> to vector<104x128xi32>
    %convert_element_type3A_1939 = arith.sitofp %convert_element_type3A_1938 : vector<104x128xi32> to vector<104x128xf32>
    %swap3A_1940 = arith.constant 121 : index
    %swap3A_1941 = arith.constant 0 : index
    %swap3A_1942 = arith.constant 0 : index
    %swap3A_1943 = vector.load %arg2[%swap3A_1940, %swap3A_1941, %swap3A_1942] : memref<128x104x128xf32, #tpu.memory_space<vmem>>, vector<1x104x128xf32>
    %swap3A_1944 = vector.shape_cast %swap3A_1943 : vector<1x104x128xf32> to vector<104x128xf32>
    %swap3A_1945 = vector.shape_cast %convert_element_type3A_1939 : vector<104x128xf32> to vector<1x104x128xf32>
    tpu.vector_store %arg2[%swap3A_1940, %swap3A_1941, %swap3A_1942], %swap3A_1945 {strides = array<i32>} : memref<128x104x128xf32, #tpu.memory_space<vmem>>, vector<1x104x128xf32>,
    %mul3A_1946 = arith.constant 128 : i32
    %mul3A_1947 = arith.muli %arg0, %mul3A_1946 : i32
    %add3A_1948 = arith.constant 122 : i32
    %add3A_1949 = arith.addi %mul3A_1947, %add3A_1948 : i32
    %get3A_1950 = arith.index_cast %add3A_1949 : i32 to index
    %get3A_1951 = memref.load %arg1[%get3A_1950] : memref<8192xi32, #tpu.memory_space<smem>>
    %lt3A_1952 = vector.broadcast %get3A_1951 : i32 to vector<104x128xi32>
    %lt3A_1953 = arith.cmpi slt, %iota3A, %lt3A_1952 : vector<104x128xi32>
    %convert_element_type3A_1954 = arith.extui %lt3A_1953 : vector<104x128xi1> to vector<104x128xi32>
    %convert_element_type3A_1955 = arith.sitofp %convert_element_type3A_1954 : vector<104x128xi32> to vector<104x128xf32>
    %swap3A_1956 = arith.constant 122 : index
    %swap3A_1957 = arith.constant 0 : index
    %swap3A_1958 = arith.constant 0 : index
    %swap3A_1959 = vector.load %arg2[%swap3A_1956, %swap3A_1957, %swap3A_1958] : memref<128x104x128xf32, #tpu.memory_space<vmem>>, vector<1x104x128xf32>
    %swap3A_1960 = vector.shape_cast %swap3A_1959 : vector<1x104x128xf32> to vector<104x128xf32>
    %swap3A_1961 = vector.shape_cast %convert_element_type3A_1955 : vector<104x128xf32> to vector<1x104x128xf32>
    tpu.vector_store %arg2[%swap3A_1956, %swap3A_1957, %swap3A_1958], %swap3A_1961 {strides = array<i32>} : memref<128x104x128xf32, #tpu.memory_space<vmem>>, vector<1x104x128xf32>,
    %mul3A_1962 = arith.constant 128 : i32
    %mul3A_1963 = arith.muli %arg0, %mul3A_1962 : i32
    %add3A_1964 = arith.constant 123 : i32
    %add3A_1965 = arith.addi %mul3A_1963, %add3A_1964 : i32
    %get3A_1966 = arith.index_cast %add3A_1965 : i32 to index
    %get3A_1967 = memref.load %arg1[%get3A_1966] : memref<8192xi32, #tpu.memory_space<smem>>
    %lt3A_1968 = vector.broadcast %get3A_1967 : i32 to vector<104x128xi32>
    %lt3A_1969 = arith.cmpi slt, %iota3A, %lt3A_1968 : vector<104x128xi32>
    %convert_element_type3A_1970 = arith.extui %lt3A_1969 : vector<104x128xi1> to vector<104x128xi32>
    %convert_element_type3A_1971 = arith.sitofp %convert_element_type3A_1970 : vector<104x128xi32> to vector<104x128xf32>
    %swap3A_1972 = arith.constant 123 : index
    %swap3A_1973 = arith.constant 0 : index
    %swap3A_1974 = arith.constant 0 : index
    %swap3A_1975 = vector.load %arg2[%swap3A_1972, %swap3A_1973, %swap3A_1974] : memref<128x104x128xf32, #tpu.memory_space<vmem>>, vector<1x104x128xf32>
    %swap3A_1976 = vector.shape_cast %swap3A_1975 : vector<1x104x128xf32> to vector<104x128xf32>
    %swap3A_1977 = vector.shape_cast %convert_element_type3A_1971 : vector<104x128xf32> to vector<1x104x128xf32>
    tpu.vector_store %arg2[%swap3A_1972, %swap3A_1973, %swap3A_1974], %swap3A_1977 {strides = array<i32>} : memref<128x104x128xf32, #tpu.memory_space<vmem>>, vector<1x104x128xf32>,
    %mul3A_1978 = arith.constant 128 : i32
    %mul3A_1979 = arith.muli %arg0, %mul3A_1978 : i32
    %add3A_1980 = arith.constant 124 : i32
    %add3A_1981 = arith.addi %mul3A_1979, %add3A_1980 : i32
    %get3A_1982 = arith.index_cast %add3A_1981 : i32 to index
    %get3A_1983 = memref.load %arg1[%get3A_1982] : memref<8192xi32, #tpu.memory_space<smem>>
    %lt3A_1984 = vector.broadcast %get3A_1983 : i32 to vector<104x128xi32>
    %lt3A_1985 = arith.cmpi slt, %iota3A, %lt3A_1984 : vector<104x128xi32>
    %convert_element_type3A_1986 = arith.extui %lt3A_1985 : vector<104x128xi1> to vector<104x128xi32>
    %convert_element_type3A_1987 = arith.sitofp %convert_element_type3A_1986 : vector<104x128xi32> to vector<104x128xf32>
    %swap3A_1988 = arith.constant 124 : index
    %swap3A_1989 = arith.constant 0 : index
    %swap3A_1990 = arith.constant 0 : index
    %swap3A_1991 = vector.load %arg2[%swap3A_1988, %swap3A_1989, %swap3A_1990] : memref<128x104x128xf32, #tpu.memory_space<vmem>>, vector<1x104x128xf32>
    %swap3A_1992 = vector.shape_cast %swap3A_1991 : vector<1x104x128xf32> to vector<104x128xf32>
    %swap3A_1993 = vector.shape_cast %convert_element_type3A_1987 : vector<104x128xf32> to vector<1x104x128xf32>
    tpu.vector_store %arg2[%swap3A_1988, %swap3A_1989, %swap3A_1990], %swap3A_1993 {strides = array<i32>} : memref<128x104x128xf32, #tpu.memory_space<vmem>>, vector<1x104x128xf32>,
    %mul3A_1994 = arith.constant 128 : i32
    %mul3A_1995 = arith.muli %arg0, %mul3A_1994 : i32
    %add3A_1996 = arith.constant 125 : i32
    %add3A_1997 = arith.addi %mul3A_1995, %add3A_1996 : i32
    %get3A_1998 = arith.index_cast %add3A_1997 : i32 to index
    %get3A_1999 = memref.load %arg1[%get3A_1998] : memref<8192xi32, #tpu.memory_space<smem>>
    %lt3A_2000 = vector.broadcast %get3A_1999 : i32 to vector<104x128xi32>
    %lt3A_2001 = arith.cmpi slt, %iota3A, %lt3A_2000 : vector<104x128xi32>
    %convert_element_type3A_2002 = arith.extui %lt3A_2001 : vector<104x128xi1> to vector<104x128xi32>
    %convert_element_type3A_2003 = arith.sitofp %convert_element_type3A_2002 : vector<104x128xi32> to vector<104x128xf32>
    %swap3A_2004 = arith.constant 125 : index
    %swap3A_2005 = arith.constant 0 : index
    %swap3A_2006 = arith.constant 0 : index
    %swap3A_2007 = vector.load %arg2[%swap3A_2004, %swap3A_2005, %swap3A_2006] : memref<128x104x128xf32, #tpu.memory_space<vmem>>, vector<1x104x128xf32>
    %swap3A_2008 = vector.shape_cast %swap3A_2007 : vector<1x104x128xf32> to vector<104x128xf32>
    %swap3A_2009 = vector.shape_cast %convert_element_type3A_2003 : vector<104x128xf32> to vector<1x104x128xf32>
    tpu.vector_store %arg2[%swap3A_2004, %swap3A_2005, %swap3A_2006], %swap3A_2009 {strides = array<i32>} : memref<128x104x128xf32, #tpu.memory_space<vmem>>, vector<1x104x128xf32>,
    %mul3A_2010 = arith.constant 128 : i32
    %mul3A_2011 = arith.muli %arg0, %mul3A_2010 : i32
    %add3A_2012 = arith.constant 126 : i32
    %add3A_2013 = arith.addi %mul3A_2011, %add3A_2012 : i32
    %get3A_2014 = arith.index_cast %add3A_2013 : i32 to index
    %get3A_2015 = memref.load %arg1[%get3A_2014] : memref<8192xi32, #tpu.memory_space<smem>>
    %lt3A_2016 = vector.broadcast %get3A_2015 : i32 to vector<104x128xi32>
    %lt3A_2017 = arith.cmpi slt, %iota3A, %lt3A_2016 : vector<104x128xi32>
    %convert_element_type3A_2018 = arith.extui %lt3A_2017 : vector<104x128xi1> to vector<104x128xi32>
    %convert_element_type3A_2019 = arith.sitofp %convert_element_type3A_2018 : vector<104x128xi32> to vector<104x128xf32>
    %swap3A_2020 = arith.constant 126 : index
    %swap3A_2021 = arith.constant 0 : index
    %swap3A_2022 = arith.constant 0 : index
    %swap3A_2023 = vector.load %arg2[%swap3A_2020, %swap3A_2021, %swap3A_2022] : memref<128x104x128xf32, #tpu.memory_space<vmem>>, vector<1x104x128xf32>
    %swap3A_2024 = vector.shape_cast %swap3A_2023 : vector<1x104x128xf32> to vector<104x128xf32>
    %swap3A_2025 = vector.shape_cast %convert_element_type3A_2019 : vector<104x128xf32> to vector<1x104x128xf32>
    tpu.vector_store %arg2[%swap3A_2020, %swap3A_2021, %swap3A_2022], %swap3A_2025 {strides = array<i32>} : memref<128x104x128xf32, #tpu.memory_space<vmem>>, vector<1x104x128xf32>,
    %mul3A_2026 = arith.constant 128 : i32
    %mul3A_2027 = arith.muli %arg0, %mul3A_2026 : i32
    %add3A_2028 = arith.constant 127 : i32
    %add3A_2029 = arith.addi %mul3A_2027, %add3A_2028 : i32
    %get3A_2030 = arith.index_cast %add3A_2029 : i32 to index
    %get3A_2031 = memref.load %arg1[%get3A_2030] : memref<8192xi32, #tpu.memory_space<smem>>
    %lt3A_2032 = vector.broadcast %get3A_2031 : i32 to vector<104x128xi32>
    %lt3A_2033 = arith.cmpi slt, %iota3A, %lt3A_2032 : vector<104x128xi32>
    %convert_element_type3A_2034 = arith.extui %lt3A_2033 : vector<104x128xi1> to vector<104x128xi32>
    %convert_element_type3A_2035 = arith.sitofp %convert_element_type3A_2034 : vector<104x128xi32> to vector<104x128xf32>
    %swap3A_2036 = arith.constant 127 : index
    %swap3A_2037 = arith.constant 0 : index
    %swap3A_2038 = arith.constant 0 : index
    %swap3A_2039 = vector.load %arg2[%swap3A_2036, %swap3A_2037, %swap3A_2038] : memref<128x104x128xf32, #tpu.memory_space<vmem>>, vector<1x104x128xf32>
    %swap3A_2040 = vector.shape_cast %swap3A_2039 : vector<1x104x128xf32> to vector<104x128xf32>
    %swap3A_2041 = vector.shape_cast %convert_element_type3A_2035 : vector<104x128xf32> to vector<1x104x128xf32>
    tpu.vector_store %arg2[%swap3A_2036, %swap3A_2037, %swap3A_2038], %swap3A_2041 {strides = array<i32>} : memref<128x104x128xf32, #tpu.memory_space<vmem>>, vector<1x104x128xf32>,
    return
  }
  func.func @transform_0(%arg0: i32, %arg1: memref<8192xi32, #tpu.memory_space<smem>>) -> (i32, i32, i32) {
    %c0_i32 = arith.constant 0 : i32
    %c0_i32_0 = arith.constant 0 : i32
    %c0_i32_1 = arith.constant 0 : i32
    return %arg0, %c0_i32, %c0_i32_0 : i32, i32, i32
  }
}

</mosaic_0001>

<sc_bundles>
// kernel: sparse-core-data-format-call.cloned.1.call-start
scs
called_computation_lowered:
.L_overlay_start_0:
0x0: {  	s2 =	sld [smem:$0x3FD9]  }
0x1: {  	s3 =	sld [smem:$0x3FFE];
	_ =	sdelay $0x1  }
0x2: {  	s1 =	srdreg.scid  }
0x3: {  	s0 =	sand.u32 $0x1, s1  }
0x4: {  	s18 =	sshll.u32 s0, $0xA;
	s2 =	sadd.s32 s3, s2  }
0x5: {  	s2 =	sadd.s32 s2, s18  }
0x6: {  	[smem:$0x3FC7] =	sst s2  }
0x7: {  	_ = 	snop  }
0x8: {  	s2 =	sld [smem:$0x3FD0];
	(tm) =	ssettm $0x1  }
0x9: {  	s19 =	sld [smem:$0x3FFB];
	_ =	sdelay $0x3  }
0xa: {  	_ =	strace s19  }
0xb: {  	s3 =	sld [smem:$0x3FFC];
	_ =	sdelay $0x3  }
0xc: {  	_ =	strace s3  }
0xd: {  	s3 =	sld [smem:$0x3FFD];
	_ =	sdelay $0x3  }
0xe: {  	_ =	strace s3  }
0xf: {  	_ =	strace $0x8FFFFFFF  }
0x10: {  	s20 =	sld [smem:$0x3FDB];
	_ =	sdelay $0x1  }
0x11: {  	s4 =	simm.s32 $_scs_section_size  }
0x12: {  	s5 =	simm.s32 $_size__tile_overlayer_lowered;
	s6 =	simm.s32 $_tile_overlayer_lowered  }
0x13: {  	s23 =	simm.s32 $0x1BFF;
	s22 =	sshll.u32 s6, $0x1;
	s3 =	sadd.s32 s4, s20  }
0x14: {  	s7 =	simm.s32 $0x0;
	s21 =	sshll.u32 s5, $0x1;
	s5 =	sadd.s32 s22, s3  }
0x15: {  	[timem:s7], [sflag:s23] =	dma.local [hbm:s5], s21  }
0x16: {  	_ =	swait.ge [sflag:s23], s21  }
0x17: {  	s4 =	ssub.s32 $0x0, s21;
	[sflag:s23] =	ssyncset.done $0x0  }
0x18: {  	[sflag:s23] =	ssyncadd.s32 s4;
	_ =	sdelay $0x1  }
0x19: {  	s24 =	simm.s32 $0x1B8B  }
0x1a: {  	_ =	swait.ge [sflag:s24], $0x1  }
0x1b: {  	[sflag:s24] =	ssyncset.done $0x0  }
0x1c: {  	s26 =	simm.s32 $0x1B8E;
	s25 =	sld [smem:$0x3FFE];
	[sflag:s24] =	ssyncadd.s32 $0xFFFFFFFF  }
0x1d: {  	s27 =	simm.s32 $execute0_lowered;
	[smem:$0x3FD2] =	sst s26  }
0x1e: {  	s5 =	sshll.u32 s27, $0x1;
	_ =	strace $0x80000046;
	[dreg:$0x1] =	wrdreg $0xFFFFFFFF  }
0x1f: {  	s28 =	simm.s32 $_size_execute0_lowered;
	s3 =	sadd.s32 s3, s5;
	[dreg:$0x0] =	wrdreg $0x0  }
0x20: {  	s5 =	sshll.u32 s28, $0x1;
	[dreg:$0x2] =	wrdreg s3  }
0x21: {  	[dreg:$0x3] =	wrdreg s5  }
0x22: {  	[dreg:$0x4] =	wrdreg $0xC0  }
0x23: {  	_ =	task [dreg:s7], $0x5FFFF  }
0x24: {  	[dreg:$0x1] =	wrdreg $0xFFFFFFFF  }
0x25: {  	[dreg:$0x0] =	wrdreg $0x60  }
0x26: {  	[dreg:$0x2] =	wrdreg s25  }
0x27: {  	[dreg:$0x3] =	wrdreg s2  }
0x28: {  	[dreg:$0x4] =	wrdreg $0x9  }
0x29: {  	_ =	task.clear_ibuf [dreg:s7], $0x5FFFF;
	_ =	strace $0x90000046  }
0x2a: {  	s29 =	simm.s32 $0x9;
	_ =	strace $0x80000048  }
0x2b: {  	_ =	swait.ge [sflag:s29], $0x1  }
0x2c: {  	[sflag:s29] =	ssyncadd.s32 $0xFFFFFFFF  }
0x2d: {  	_ =	strace $0x90000048  }
0x2e: {  	_ =	sfence  }
0x2f: {  	s30 =	sld [smem:$0x0];
	_ =	sdelay $0x2  }
0x30: {  	s31 =	sshll.u32 s1, $0xD;
	s1 =	sshrl.u32 s1, $0x2  }
0x31: {  	s3 =	sand.u32 $0x4000, s31;
	s1 =	sadd.s32 s1, s30  }
0x32: {  	s0 =	sor.u32 s3, s0;
	s1 =	sshll.u32 s1, $0x11  }
0x33: {  	s0 =	sor.u32 s1, s0  }
0x34: {  	s0 =	sadd.s32 $0x8F2B, s0  }
0x35: {  	[sflag:s0] =	ssyncadd.remote.s32 $0x1  }
0x36: {  	_ =	sfence.sel $0xFFFF  }
0x37: {  	[dreg:$0x0] =	wrdreg $0xFFFFFFFF;
	(pc) =	sbr.abs _section_cstart, $3  }
0x38: {  	[dreg:$0x1] =	wrdreg $0xFFFFFFFF  }
0x39: {  	_ =	task.clear_ibuf [dreg:s7], $0x2FFFF;
	_ =	strace $0x9FFFFFFF  }
0x3a: {  	(tm) =	ssettm $0x7FFFFFFF  }
0x3b: {  	_ =	shalt  }
tec
execute0_lowered:
.L_overlay_start_1:
0x0: {  	(tag) =	ssettag $0x1  }
0x1: {  	s0 =	srdreg.scid  }
0x2: {  	s1 =	sshll.u32 s0, $0x4  }
0x3: {  	s6 =	rddreg [dreg:$0x0];
	s0 =	stileid.u32;
	s1 =	sand.u32 $0x10, s1  }
0x4: {  	s3 =	rddreg [dreg:$0x1];
	s1 =	sor.u32 s0, s1  }
0x5: {  	s5 =	simm.s32 $0x1;
	s31 =	simm.s32 $0x2;
	s2 =	sshll.u32 s1, $0x7  }
0x6: {  	s15 =	simm.s32 $0x0;
	s8 =	simm.s32 $0x10000;
	s4 =	ssub.s32 $0x2000, s2  }
0x7: {  	s14 =	simm.s32 $0x0;
	s9 =	simm.s32 $0x0;
	s30 =	sand.u32 $0xF80, s4  }
0x8: {  	s10 =	simm.s32 $0x0;
	s11 =	simm.s32 $0x0;
	p0 =	sne.s32 s30, $0x0  }
.Ltmp0:
0x9: {  	s7 =	sshrl.u32 s4, $0xC;
	s5 =	simm.s32 @!p0 $0x0;
	(pc) =	sbr.rel .LBB1_1-.Ltmp0, $4  }
0xa: {  	s13 =	simm.s32 $0x0;
	s1 =	rddreg [dreg:$0x2];
	s5 =	sadd.s32 s5, s7  }
0xb: {  	_ =	strace $0x80000047;
	s4 =	simm.s32 $0x1;
	s5 =	smul.u32 $0x64, s5  }
0xc: {  	s6 =	sadd.s32 $0x400, s6;
	s12 =	smov.u32 s2;
	[sflag:s4] =	ssyncpa.u1 $0x0  }
0xd: {  	[sflag:s31] =	ssyncpa.u1 $0x0;
	p0 =	por $0x0, $0x0;
	s7 =	sor.u32 $0x1, s5  }
.LBB1_4:
0xe: {  	s20 =	sshra.s32 s20, $0x2;
	s28 =	sshll.u32 s10, $0x3;
	p1 =	sgt.s32 s9, $0x63  }
0xf: {  	s21 =	smov.u32 s9;
	s23 =	sshra.s32 s9, $0x1F;
	s24 =	smov.u32 s10  }
0x10: {  	v5 =	vld [tilespmem:s17+$0xFFFFFFD0];
	[tilespmem:s18+$0x2040 ss:$0x81] =	vst.msk $0xffff, v4;
	s25 =	sshra.s32 s10, $0x1F;
	s26 =	sand.u32 $0x78, s10;
	s19 =	sadd.s32 s20, s19  }
0x11: {  	v58 =	vld [tilespmem:s17+$0xFFFFFFE0];
	[tilespmem:s18+$0x2850 ss:$0x81] =	vst.msk $0xffff, v3;
	s22 =	sshrl.u32 s28, $0xD;
	s21 =	simm.s32 @!p1 $0x63;
	s23 =	sand.u32 s23, s9  }
0x12: {  	v59 =	vld [tilespmem:s17+$0xFFFFFFF0];
	[tilespmem:s18+$0x3060 ss:$0x81] =	vst.msk $0xffff, v2;
	p1 =	sgt.s32 s10, $0x1F80;
	s29 =	sand.u32 s25, s10;
	s20 =	sand.u32 $0x1C00, s28  }
0x13: {  	v60 =	vld [tilespmem:s17+$0x0];
	[tilespmem:s18+$0x0 ss:$0x81] =	vst.msk $0xffff, v0;
	s28 =	smul.u32 $0x1A000, s9;
	s21 =	ssub.s32 s21, s23;
	s24 =	simm.s32 @!p1 $0x1F80  }
0x14: {  	v61 =	vld [tilespmem:s17+$0x10];
	s30 =	smulhi.u32 $0x2762763, s22;
	[tilespmem:s19+$0x3870 ss:$0x81] =	vst.msk $0xffff, v1;
	s20 =	sor.u32 s26, s20;
	s31 =	ssub.s32 $0x64, s21  }
0x15: {  	v62 =	vld [tilespmem:s17+$0x20];
	s23 =	ssub.s32 s24, s29;
	s21 =	sadd.s32 $0xFFFFFF9D, s21;
	s25 =	smul.u32 $0x68, s31;
	[tilespmem:s19+$0x810 ss:$0x81] =	vst.msk $0xffff, v5  }
0x16: {  	v63 =	vld [tilespmem:s17+$0xFFFFFFC0];
	s18 =	smul.u32 $0x68, s30;
	p1 =	sgt.s32 s21, $0x0;
	s27 =	sadd.s32 $0xFFFFE080, s23;
	[tilespmem:s19+$0x1020 ss:$0x81] =	vst.msk $0xffff, v58  }
0x17: {  	s17 =	ssub.s32 $0x2000, s23;
	[tilespmem:s19+$0x1830 ss:$0x81] =	vst.msk $0xffff, v59;
	s25 =	simm.s32 @p1 $0x0;
	p1 =	sgt.s32 s27, $0x7F  }
0x18: {  	s29 =	sand.u32 $0x7, s10;
	[tilespmem:s19+$0x2040 ss:$0x81] =	vst.msk $0xffff, v60;
	s18 =	ssub.s32 s22, s18;
	s17 =	simm.s32 @p1 $0x0  }
0x19: {  	s21 =	sadd.s32 s3, s28;
	[tilespmem:s19+$0x2850 ss:$0x81] =	vst.msk $0xffff, v61;
	s18 =	sshll.u32 s18, $0xA;
	s17 =	smul.u32 s17, s25  }
0x1a: {  	s20 =	sshrl.u32 s20, $0x3;
	s30 =	sshll.u32 s29, $0x12;
	[tilespmem:s19+$0x3060 ss:$0x81] =	vst.msk $0xffff, v62;
	s18 =	sadd.s32 s18, s21  }
0x1b: {  	[tilespmem:s19+$0x0 ss:$0x81] =	vst.msk $0xffff, v63;
	s31 =	sor.u32 $0x400, s30;
	s18 =	sadd.s32 s20, s18;
	s17 =	sand.u32 $0x3FFFFFF8, s17  }
0x1c: {  	[hbm4b:s18+s31] =	stream.strided.scatter [tilespmem:s16], [sflag:$0x2], s17, s8, s31, $0x20;
	[tilespmem:$0x10100] =	vst v63  }
.LBB1_5:
0x1d: {  	p1 =	slt.u32 s13, $0x2  }
0x1e: {  	s17 =	smov.u32 s15;
	p2 =	sgt.s32 @!p1 s15, $0x63;
	s16 =	sshra.s32 @!p1 s15, $0x1F  }
0x1f: {  	p3 =	sgt.s32 @!p1 s14, $0x1F80;
	s18 =	sshra.s32 @!p1 s14, $0x1F;
	p2 =	por !p2, p1  }
0x20: {  	s15 =	sand.u32 @!p1 s16, s15;
	p3 =	por !p3, p1;
	s16 =	smov.u32 s14  }
0x21: {  	s14 =	sand.u32 @!p1 s18, s14;
	s17 =	simm.s32 @p2 $0x63;
	s16 =	simm.s32 @p3 $0x1F80  }
0x22: {  	s18 =	smov.u32 s12;
	s15 =	ssub.s32 @!p1 s17, s15;
	s14 =	ssub.s32 @!p1 s16, s14  }
0x23: {  	s16 =	sadd.s32 @!p1 $0xFFFFFF9D, s15;
	s15 =	ssub.s32 @!p1 $0x64, s15;
	s17 =	sadd.s32 @!p1 $0xFFFFE080, s14  }
0x24: {  	p2 =	sgt.s32 @!p1 s16, $0x0;
	s15 =	smul.u32 @!p1 $0x68, s15;
	p3 =	sgt.s32 @!p1 s17, $0x7F  }
0x25: {  	s14 =	ssub.s32 @!p1 $0x2000, s14;
	p2 =	por !p2, p1;
	p3 =	por !p3, p1  }
0x26: {  	s16 =	sadd.s32 $0x1, s11;
	s15 =	simm.s32 @!p2 $0x0;
	s14 =	simm.s32 @!p3 $0x0  }
0x27: {  	p2 =	sgt.s32 s16, $0x63;
	s14 =	smul.u32 @!p1 s14, s15;
	s15 =	sadd.s32 $0x1000, s12  }
0x28: {  	s18 =	smov.u32 @p2 s15  }
0x29: {  	s16 =	simm.s32 @p2 $0x0;
	p2 =	sgt.s32 s18, $0x1FFF  }
0x2a: {  	s18 =	smov.u32 @p2 s2;
	p2 =	sne.s32 s13, s7  }
.Ltmp1:
0x2b: {  	p0 =	por !p0, !p0;
	s17 =	simm.s32 @!p1 $0x2;
	(pc) =	sbr.rel @!p2 .LBB1_6-.Ltmp1, $4  }
0x2c: {  	s15 =	smov.u32 s9;
	s9 =	smov.u32 s11;
	s14 =	sand.u32 @!p1 $0x3FFFFFF8, s14  }
0x2d: {  	s11 =	smov.u32 s16;
	_ =	swait.ge @!p1 [sflag:s17], s14;
	s19 =	ssub.s32 @!p1 $0x0, s14  }
0x2e: {  	s14 =	smov.u32 s10;
	s13 =	sadd.s32 $0x1, s13;
	[sflag:s17] =	ssyncset.done @!p1 $0x0  }
0x2f: {  	s10 =	smov.u32 s12;
	s12 =	smov.u32 s18;
	[sflag:s17] =	ssyncadd.s32 @!p1 s19  }
.LBB1_1:
0x30: {  	p1 =	sge.u32 s13, s5  }
0x31: {  	s16 =	sand.u32 @!p1 $0x1FFFFFF, s11  }
0x32: {  	s17 =	smulhi.u32 @!p1 $0x2762763, s16;
	_ =	sdelay $0x1  }
0x33: {  	s17 =	smul.u32 @!p1 $0x68, s17  }
0x34: {  	s18 =	sxor.u32 @!p1 $0xFFFFFFFF, s13;
	s19 =	smul.u32 @!p1 $0x680, s12  }
0x35: {  	s31 =	sadd.s32 $0xFFFFFFFF, s13;
	s18 =	sshll.u32 @!p1 s18, $0xE;
	s16 =	ssub.s32 @!p1 s16, s17  }
0x36: {  	s17 =	sand.u32 @!p1 $0x4000, s18;
	s18 =	sadd.s32 @!p1 s6, s19;
	s16 =	sshll.u32 @!p1 s16, $0x4  }
0x37: {  	s19 =	simm.s32 @!p1 $0x3400;
	s16 =	sadd.s32 @!p1 s16, s18;
	s18 =	simm.s32 @!p1 $0x80  }
0x38: {  	[tilespmem:s17], [sflag:$0x1] =	stream.strided.gather @!p1 [hbm4b:s16+s18], $0x4000, s19, s18, $0x38;
	[tilespmem:$0x10100] =	vst v63  }
0x39: {  	p1 =	sge.u32 s31, s5  }
.Ltmp2:
0x3a: {  	_ = 	snop;
	(pc) =	sbr.rel @p1 .LBB1_5-.Ltmp2, $1  }
0x3b: {  	_ =	sdelay $0x3  }
0x3c: {  	s16 =	simm.s32 $0x1  }
0x3d: {  	_ =	swait.ge [sflag:s4], $0x4000;
	s16 =	simm.s32 @!p0 $0x0  }
0x3e: {  	[sflag:s4] =	ssyncset.done $0x0;
	s17 =	sshll.u32 s16, $0xE  }
0x3f: {  	[sflag:s4] =	ssyncadd.s32 $0xFFFFC000;
	s17 =	sor.u32 $0x40, s17  }
0x40: {  	s16 =	smul.u32 $0x10200, s16;
	v0 =	vld [tilespmem:s17+$0x30]  }
0x41: {  	v1 =	vld [tilespmem:s17+$0xFFFFFFD0]  }
0x42: {  	s16 =	sshrl.u32 s16, $0x2;
	v5 =	vld [tilespmem:s17+$0xFFFFFFE0]  }
0x43: {  	v6 =	vld [tilespmem:s17+$0xFFFFFFF0];
	s19 =	sor.u32 $0x8000, s16  }
0x44: {  	s31 =	sand.u32 $0x1, s13;
	v4 =	vld [tilespmem:s17+$0x0];
	s18 =	sadd.s32 $0x0, s19  }
0x45: {  	v3 =	vld [tilespmem:s17+$0x10];
	s16 =	smul.u32 $0x10200, s31;
	[tilespmem:s18+$0x3870 ss:$0x81] =	vst.msk $0xffff, v0  }
0x46: {  	v2 =	vld [tilespmem:s17+$0x20];
	[tilespmem:s18+$0x810 ss:$0x81] =	vst.msk $0xffff, v1  }
0x47: {  	s16 =	sshrl.u32 s16, $0x2;
	v0 =	vld [tilespmem:s17+$0xFFFFFFC0];
	[tilespmem:s18+$0x1020 ss:$0x81] =	vst.msk $0xffff, v5;
	s17 =	sadd.s32 $0x80, s17  }
0x48: {  	s20 =	simm.s32 $0x4;
	s21 =	simm.s32 $0x8;
	s16 =	sor.u32 $0x8000, s16;
	[tilespmem:s18+$0x1830 ss:$0x81] =	vst.msk $0xffff, v6;
	v1 =	vld [tilespmem:s17+$0x30]  }
.LBB1_3:
0x49: {  	p1 =	sne.s32 s21, $0x1FC;
	v5 =	vld [tilespmem:s17+$0xFFFFFFD0];
	[tilespmem:s18+$0x2040 ss:$0x81] =	vst.msk $0xffff, v4  }
0x4a: {  	v6 =	vld [tilespmem:s17+$0xFFFFFFE0];
	[tilespmem:s18+$0x2850 ss:$0x81] =	vst.msk $0xffff, v3  }
0x4b: {  	s22 =	sshra.s32 s20, $0x2;
	s20 =	smov.u32 s21;
	v7 =	vld [tilespmem:s17+$0xFFFFFFF0];
	[tilespmem:s18+$0x3060 ss:$0x81] =	vst.msk $0xffff, v2  }
.Ltmp3:
0x4c: {  	v4 =	vld [tilespmem:s17+$0x0];
	[tilespmem:s18+$0x0 ss:$0x81] =	vst.msk $0xffff, v0;
	s18 =	sadd.s32 s22, s19;
	(pc) =	sbr.rel @p1 .LBB1_3-.Ltmp3, $4  }
0x4d: {  	v3 =	vld [tilespmem:s17+$0x10];
	[tilespmem:s18+$0x3870 ss:$0x81] =	vst.msk $0xffff, v1  }
0x4e: {  	[tilespmem:s18+$0x810 ss:$0x81] =	vst.msk $0xffff, v5;
	v2 =	vld [tilespmem:s17+$0x20]  }
0x4f: {  	v0 =	vld [tilespmem:s17+$0xFFFFFFC0];
	[tilespmem:s18+$0x1020 ss:$0x81] =	vst.msk $0xffff, v6;
	s17 =	sadd.s32 $0x80, s17  }
0x50: {  	s21 =	sadd.s32 $0x4, s21;
	v1 =	vld [tilespmem:s17+$0x30];
	[tilespmem:s18+$0x1830 ss:$0x81] =	vst.msk $0xffff, v7  }
.Ltmp4:
0x51: {  	_ = 	snop;
	(pc) =	sbr.rel .LBB1_4-.Ltmp4, $1  }
0x52: {  	_ =	sdelay $0x3  }
.LBB1_6:
0x53: {  	_ =	sfence.sel $0x180000  }
0x54: {  	s2 =	simm.s32 $0x1;
	[bflag:$0x0] =	sbarrier.arrive $0xFFFF  }
0x55: {  	s31 =	simm.s32 $0x2;
	[sflag:s2] =	ssyncpa.u1 $0x1  }
0x56: {  	[sflag:s31] =	ssyncpa.u1 $0x1  }
0x57: {  	p0 =	sne.s32 s0, $0x0;
	_ =	strace $0x90000047  }
0x58: {  	s0 =	sadd.s32 @!p0 $0x100000, s1;
	[bflag:$0x2] =	sbarrier.arrive $0xFFFF  }
0x59: {  	[sflag:s0] =	ssyncadd.tile.s32 @!p0 $0x1;
	_ =	shalt  }
.Lfunc_end1:
_tile_overlayer_lowered:
.L_overlay_start_2:
0x5a: {  	(tag) =	ssettag $0x2  }
0x5b: {  	s0 =	rddreg [dreg:$0x0];
	s2 =	stileid.u32  }
0x5c: {  	s1 =	rddreg [dreg:$0x1];
	p0 =	sne.s32 s2, $0x0  }
0x5d: {  	s3 =	rddreg [dreg:$0x2];
	[bflag:$0x3] =	sbarrier.arrive $0xFFFF;
	s2 =	simm.s32 @!p0 $0x1C01  }
0x5e: {  	[timem:s3], [sflag:s2] =	dma.local @!p0 [hbm:s0], s1  }
0x5f: {  	s0 =	simm.s32 @!p0 $0x1  }
0x60: {  	_ =	swait.ge @!p0 [sflag:s0], s1  }
0x61: {  	s1 =	ssub.s32 @!p0 $0x0, s1;
	[sflag:s0] =	ssyncset.done @!p0 $0x0  }
0x62: {  	[sflag:s0] =	ssyncadd.s32 @!p0 s1  }
0x63: {  	[bflag:$0x3] =	sbarrier.arrive $0xFFFF  }
0x64: {  	_ =	shalt  }

</sc_bundles>
